<compile_context>
chip_gen: v7x
topology: tpu7x:2x2x1
jax: 0.10.2.dev20260603
libtpu: 0.0.44.dev20260713+nightly
codegen_flags: <defaults>
</compile_context>

<pallas_src>
import functools

import jax
import jax.numpy as jnp
from jax import lax
from jax.experimental import pallas as pl
from jax.experimental.pallas import tpu as pltpu
from jax.experimental.pallas import tpu_sc as plsc

VOCAB_DIM = 8192
TOKENS = 4 * 2048
NC, NS = 2, 16
NW = NC * NS
TPW = TOKENS // NW
K = 4
CHUNKS = TPW // K


def _body(idx_hbm, table_hbm, out_hbm, idx_v,
          buf0, buf1, buf2, sg0, sg1, sg2, sw0, sw1, sw2):
    wid = lax.axis_index("s") * NC + lax.axis_index("c")
    pltpu.sync_copy(idx_hbm.at[pl.ds(wid * CHUNKS, CHUNKS)], idx_v)
    base = wid * TPW
    bufs = (buf0, buf1, buf2)
    sgs = (sg0, sg1, sg2)
    sws = (sw0, sw1, sw2)

    pltpu.async_copy(table_hbm.at[idx_v.at[0]], buf0, sg0)
    pltpu.async_copy(table_hbm.at[idx_v.at[1]], buf1, sg1)

    def step(g, carry):
        for b in range(3):
            j = 3 * g + b
            p, pn = b, (b + 2) % 3
            @pl.when(j >= 1)
            def _drain():
                pltpu.make_async_copy(
                    bufs[pn], out_hbm.at[pl.ds(base, K)], sws[pn]).wait()

            @pl.when(j + 2 < CHUNKS)
            def _prefetch():
                pltpu.async_copy(
                    table_hbm.at[idx_v.at[j + 2]], bufs[pn], sgs[pn])

            pltpu.make_async_copy(
                table_hbm.at[idx_v.at[j]], bufs[p], sgs[p]).wait()
            pltpu.async_copy(bufs[p], out_hbm.at[pl.ds(base + j * K, K)],
                             sws[p])
        return carry

    lax.fori_loop(0, CHUNKS // 3, step, 0, unroll=3)
    j = CHUNKS - 1
    pltpu.make_async_copy(table_hbm.at[idx_v.at[j]], bufs[0], sgs[0]).wait()
    pltpu.async_copy(bufs[0], out_hbm.at[pl.ds(base + j * K, K)], sws[0])
    pltpu.make_async_copy(bufs[2], out_hbm.at[pl.ds(base, K)], sws[2]).wait()
    pltpu.make_async_copy(bufs[0], out_hbm.at[pl.ds(base, K)], sws[0]).wait()


_mesh = plsc.VectorSubcoreMesh(core_axis_name="c", subcore_axis_name="s")

_gather = functools.partial(
    pl.kernel,
    mesh=_mesh,
    out_type=jax.ShapeDtypeStruct((TOKENS, VOCAB_DIM), jnp.float32),
    scratch_types=[
        pltpu.VMEM((CHUNKS, K), jnp.int32),
        pltpu.VMEM((K, VOCAB_DIM), jnp.float32),
        pltpu.VMEM((K, VOCAB_DIM), jnp.float32),
        pltpu.VMEM((K, VOCAB_DIM), jnp.float32),
        pltpu.SemaphoreType.DMA,
        pltpu.SemaphoreType.DMA,
        pltpu.SemaphoreType.DMA,
        pltpu.SemaphoreType.DMA,
        pltpu.SemaphoreType.DMA,
        pltpu.SemaphoreType.DMA,
    ],
)(_body)


def kernel(x, vocab_table):
    idx = x.reshape(TOKENS).astype(jnp.int32).reshape(NW * CHUNKS, K)
    out = _gather(idx, vocab_table)
    return out.reshape(x.shape + (VOCAB_DIM,))

# --- scband reference (transcript-rebuilt; emitter-appended) ---
"""Pipeline reference for scband-bigram-27659589386609 (READ-ONLY COPY).

The authoritative reference and input builder live on the scoring server;
editing this copy changes nothing except your own understanding.
"""

import jax, jax.numpy as jnp
import numpy as np

VOCAB = 8192
B, L = 4, 2048

def setup_inputs(seed: int = 0) -> dict:
    key = jax.random.key(seed)
    k1, k2 = jax.random.split(key)
    x = jax.random.randint(k1, (B, L), 0, VOCAB, dtype=jnp.int64) if jax.config.jax_enable_x64 else jax.random.randint(k1, (B, L), 0, VOCAB, dtype=jnp.int32)
    vocab_table = jax.random.normal(k2, (VOCAB, VOCAB), dtype=jnp.float32) * 0.02
    return {"x": x, "vocab_table": vocab_table}

def reference(x, vocab_table):
    # Bigram forward: embedding lookup of x into [vocab, vocab] table
    return jnp.take(vocab_table, x, axis=0)

if __name__ == "__main__":
    import jax
    _d = setup_inputs()
    print(jax.jit(kernel)(*tuple(_d.values())))

</pallas_src>

<mosaic_0001>
#map = affine_map<(d0, d1) -> (0, 0)>
module attributes {stable_mosaic.version = 14 : i64} {
  func.func @_body(%arg0: i32, %arg1: i32, %arg2: memref<2048x4xi32, #tpu.memory_space<hbm>>, %arg3: memref<8192x8192xf32, #tpu.memory_space<hbm>>, %arg4: memref<8192x8192xf32, #tpu.memory_space<hbm>>, %arg5: memref<64x4xi32, #tpu.memory_space<vmem>>, %arg6: memref<4x8192xf32, #tpu.memory_space<vmem>>, %arg7: memref<4x8192xf32, #tpu.memory_space<vmem>>, %arg8: memref<4x8192xf32, #tpu.memory_space<vmem>>, %arg9: memref<!tpu.dma_semaphore, #tpu.memory_space<semaphore_mem>>, %arg10: memref<!tpu.dma_semaphore, #tpu.memory_space<semaphore_mem>>, %arg11: memref<!tpu.dma_semaphore, #tpu.memory_space<semaphore_mem>>, %arg12: memref<!tpu.dma_semaphore, #tpu.memory_space<semaphore_mem>>, %arg13: memref<!tpu.dma_semaphore, #tpu.memory_space<semaphore_mem>>, %arg14: memref<!tpu.dma_semaphore, #tpu.memory_space<semaphore_mem>>) attributes {dimension_semantics = [#tpu.dimension_semantics<core_parallel>, #tpu.dimension_semantics<subcore_parallel>], iteration_bounds = array<i64: 2, 16>, scalar_prefetch = 0 : i64, scratch_operands = 10 : i64, tpu.core_type = #tpu.core_type<sc_vector_subcore>, window_params = [{transform_indices = #map}, {transform_indices = #map}, {transform_indices = #map}]} {
    %mul3A = arith.constant 2 : i32
    %mul3A_0 = arith.muli %arg1, %mul3A : i32
    %add3A = arith.addi %mul3A_0, %arg0 : i32
    %mul3A_1 = arith.constant 64 : i32
    %mul3A_2 = arith.muli %add3A, %mul3A_1 : i32
    "tpu.region"() ({
      %run_scoped3A = tpu.sem_alloc : memref<!tpu.dma_semaphore, #tpu.memory_space<semaphore_mem>>
      %dma_start3A_43 = arith.constant 0 : i32
      %dma_start3A_44 = tpu.memref_slice %arg2[%mul3A_2, %dma_start3A_43] : memref<2048x4xi32, #tpu.memory_space<hbm>> -> memref<64x4xi32, #tpu.memory_space<hbm>>
      %dma_start3A_45 = arith.constant 0 : i32
      %dma_start3A_46 = tpu.memref_slice %arg2[%mul3A_2, %dma_start3A_45] : memref<2048x4xi32, #tpu.memory_space<hbm>> -> memref<64x4xi32, #tpu.memory_space<hbm>>
      tpu.enqueue_dma source(%dma_start3A_46 : memref<64x4xi32, #tpu.memory_space<hbm>>) target(%arg5 : memref<64x4xi32, #tpu.memory_space<vmem>>) target_semaphore(%run_scoped3A : memref<!tpu.dma_semaphore, #tpu.memory_space<semaphore_mem>>)
      %dma_wait3A_47 = arith.constant 0 : i32
      %dma_wait3A_48 = tpu.memref_slice %arg2[%mul3A_2, %dma_wait3A_47] : memref<2048x4xi32, #tpu.memory_space<hbm>> -> memref<64x4xi32, #tpu.memory_space<hbm>>
      %dma_wait3A_49 = arith.constant 0 : i32
      %dma_wait3A_50 = tpu.memref_slice %arg2[%mul3A_2, %dma_wait3A_49] : memref<2048x4xi32, #tpu.memory_space<hbm>> -> memref<64x4xi32, #tpu.memory_space<hbm>>
      tpu.wait_dma2 semaphore(%run_scoped3A : memref<!tpu.dma_semaphore, #tpu.memory_space<semaphore_mem>>) src(%dma_wait3A_50 : memref<64x4xi32, #tpu.memory_space<hbm>>) dst(%arg5 : memref<64x4xi32, #tpu.memory_space<vmem>>)
      tpu.yield
    }) : () -> ()
    %mul3A_3 = arith.constant 256 : i32
    %mul3A_4 = arith.muli %add3A, %mul3A_3 : i32
    %dma_start3A = arith.constant 0 : i32
    %dma_start3A_5 = arith.constant 0 : i32
    %dma_start3A_6 = tpu.memref_slice %arg5[%dma_start3A, %dma_start3A_5] : memref<64x4xi32, #tpu.memory_space<vmem>> -> memref<1x4xi32, #tpu.memory_space<vmem>>
    %dma_start3A_7 = tpu.memref_squeeze %dma_start3A_6 : memref<1x4xi32, #tpu.memory_space<vmem>> -> memref<4xi32, #tpu.memory_space<vmem>>
    %dma_start3A_8 = arith.constant 0 : i32
    %dma_start3A_9 = arith.constant 0 : i32
    %dma_start3A_10 = tpu.memref_slice %arg3[%dma_start3A_8, %dma_start3A_9] : memref<8192x8192xf32, #tpu.memory_space<hbm>> -> memref<8192x8192xf32, #tpu.memory_space<hbm>>
    tpu.enqueue_indirect_dma source(%dma_start3A_10 : memref<8192x8192xf32, #tpu.memory_space<hbm>>) target(%arg6 : memref<4x8192xf32, #tpu.memory_space<vmem>>) offsets(%dma_start3A_7 : memref<4xi32, #tpu.memory_space<vmem>>) semaphore(%arg9 : memref<!tpu.dma_semaphore, #tpu.memory_space<semaphore_mem>>)
    %dma_start3A_11 = arith.constant 1 : i32
    %dma_start3A_12 = arith.constant 0 : i32
    %dma_start3A_13 = tpu.memref_slice %arg5[%dma_start3A_11, %dma_start3A_12] : memref<64x4xi32, #tpu.memory_space<vmem>> -> memref<1x4xi32, #tpu.memory_space<vmem>>
    %dma_start3A_14 = tpu.memref_squeeze %dma_start3A_13 : memref<1x4xi32, #tpu.memory_space<vmem>> -> memref<4xi32, #tpu.memory_space<vmem>>
    %dma_start3A_15 = arith.constant 0 : i32
    %dma_start3A_16 = arith.constant 0 : i32
    %dma_start3A_17 = tpu.memref_slice %arg3[%dma_start3A_15, %dma_start3A_16] : memref<8192x8192xf32, #tpu.memory_space<hbm>> -> memref<8192x8192xf32, #tpu.memory_space<hbm>>
    tpu.enqueue_indirect_dma source(%dma_start3A_17 : memref<8192x8192xf32, #tpu.memory_space<hbm>>) target(%arg7 : memref<4x8192xf32, #tpu.memory_space<vmem>>) offsets(%dma_start3A_14 : memref<4xi32, #tpu.memory_space<vmem>>) semaphore(%arg10 : memref<!tpu.dma_semaphore, #tpu.memory_space<semaphore_mem>>)
    %scan3A = arith.constant 0 : i32
    %scan3A_18 = arith.constant 0 : i32
    %scan3A_19 = arith.constant 21 : i32
    %scan3A_20 = arith.addi %scan3A_18, %scan3A_19 : i32
    %scan3A_21 = arith.constant 3 : i32
    scf.for %scan3A_43 = %scan3A_18 to %scan3A_20 step %scan3A_21  : i32 {
      %mul3A_44 = arith.constant 3 : i32
      %mul3A_45 = arith.muli %mul3A_44, %scan3A_43 : i32
      %add3A_46 = arith.constant 0 : i32
      %add3A_47 = arith.addi %mul3A_45, %add3A_46 : i32
      %ge3A = arith.constant 1 : i32
      %ge3A_48 = arith.cmpi sge, %add3A_47, %ge3A : i32
      %convert_element_type3A = arith.extui %ge3A_48 : i1 to i32
      %cond3A = arith.constant 0 : i32
      %cond3A_49 = arith.cmpi ne, %convert_element_type3A, %cond3A : i32
      scf.if %cond3A_49 {
        %dma_wait3A_305 = arith.constant 0 : i32
        %dma_wait3A_306 = tpu.memref_slice %arg4[%mul3A_4, %dma_wait3A_305] : memref<8192x8192xf32, #tpu.memory_space<hbm>> -> memref<4x8192xf32, #tpu.memory_space<hbm>>
        %dma_wait3A_307 = arith.constant 0 : i32
        %dma_wait3A_308 = tpu.memref_slice %arg4[%mul3A_4, %dma_wait3A_307] : memref<8192x8192xf32, #tpu.memory_space<hbm>> -> memref<4x8192xf32, #tpu.memory_space<hbm>>
        tpu.wait_dma2 semaphore(%arg14 : memref<!tpu.dma_semaphore, #tpu.memory_space<semaphore_mem>>) src(%arg8 : memref<4x8192xf32, #tpu.memory_space<vmem>>) dst(%dma_wait3A_308 : memref<4x8192xf32, #tpu.memory_space<hbm>>)
      } else {
      }
      %add3A_50 = arith.constant 2 : i32
      %add3A_51 = arith.addi %add3A_47, %add3A_50 : i32
      %lt3A = arith.constant 64 : i32
      %lt3A_52 = arith.cmpi slt, %add3A_51, %lt3A : i32
      %convert_element_type3A_53 = arith.extui %lt3A_52 : i1 to i32
      %cond3A_54 = arith.constant 0 : i32
      %cond3A_55 = arith.cmpi ne, %convert_element_type3A_53, %cond3A_54 : i32
      scf.if %cond3A_55 {
        %add3A_305 = arith.constant 2 : i32
        %add3A_306 = arith.addi %add3A_47, %add3A_305 : i32
        %dma_start3A_307 = arith.constant 0 : i32
        %dma_start3A_308 = tpu.memref_slice %arg5[%add3A_306, %dma_start3A_307] : memref<64x4xi32, #tpu.memory_space<vmem>> -> memref<1x4xi32, #tpu.memory_space<vmem>>
        %dma_start3A_309 = tpu.memref_squeeze %dma_start3A_308 : memref<1x4xi32, #tpu.memory_space<vmem>> -> memref<4xi32, #tpu.memory_space<vmem>>
        %dma_start3A_310 = arith.constant 0 : i32
        %dma_start3A_311 = arith.constant 0 : i32
        %dma_start3A_312 = tpu.memref_slice %arg3[%dma_start3A_310, %dma_start3A_311] : memref<8192x8192xf32, #tpu.memory_space<hbm>> -> memref<8192x8192xf32, #tpu.memory_space<hbm>>
        tpu.enqueue_indirect_dma source(%dma_start3A_312 : memref<8192x8192xf32, #tpu.memory_space<hbm>>) target(%arg8 : memref<4x8192xf32, #tpu.memory_space<vmem>>) offsets(%dma_start3A_309 : memref<4xi32, #tpu.memory_space<vmem>>) semaphore(%arg11 : memref<!tpu.dma_semaphore, #tpu.memory_space<semaphore_mem>>)
      } else {
      }
      %dma_wait3A_56 = arith.constant 0 : i32
      %dma_wait3A_57 = tpu.memref_slice %arg5[%add3A_47, %dma_wait3A_56] : memref<64x4xi32, #tpu.memory_space<vmem>> -> memref<1x4xi32, #tpu.memory_space<vmem>>
      %dma_wait3A_58 = tpu.memref_squeeze %dma_wait3A_57 : memref<1x4xi32, #tpu.memory_space<vmem>> -> memref<4xi32, #tpu.memory_space<vmem>>
      %dma_wait3A_59 = arith.constant 0 : i32
      %dma_wait3A_60 = arith.constant 0 : i32
      %dma_wait3A_61 = tpu.memref_slice %arg3[%dma_wait3A_59, %dma_wait3A_60] : memref<8192x8192xf32, #tpu.memory_space<hbm>> -> memref<8192x8192xf32, #tpu.memory_space<hbm>>
      tpu.wait_indirect_dma semaphore(%arg9 : memref<!tpu.dma_semaphore, #tpu.memory_space<semaphore_mem>>) src(%dma_wait3A_61 : memref<8192x8192xf32, #tpu.memory_space<hbm>>) dst(%arg6 : memref<4x8192xf32, #tpu.memory_space<vmem>>)
      %mul3A_62 = arith.constant 4 : i32
      %mul3A_63 = arith.muli %add3A_47, %mul3A_62 : i32
      %add3A_64 = arith.addi %mul3A_4, %mul3A_63 : i32
      %dma_start3A_65 = arith.constant 0 : i32
      %dma_start3A_66 = tpu.memref_slice %arg4[%add3A_64, %dma_start3A_65] : memref<8192x8192xf32, #tpu.memory_space<hbm>> -> memref<4x8192xf32, #tpu.memory_space<hbm>>
      %dma_start3A_67 = arith.constant 0 : i32
      %dma_start3A_68 = tpu.memref_slice %arg4[%add3A_64, %dma_start3A_67] : memref<8192x8192xf32, #tpu.memory_space<hbm>> -> memref<4x8192xf32, #tpu.memory_space<hbm>>
      tpu.enqueue_dma source(%arg6 : memref<4x8192xf32, #tpu.memory_space<vmem>>) target(%dma_start3A_68 : memref<4x8192xf32, #tpu.memory_space<hbm>>) target_semaphore(%arg12 : memref<!tpu.dma_semaphore, #tpu.memory_space<semaphore_mem>>)
      %mul3A_69 = arith.constant 3 : i32
      %mul3A_70 = arith.muli %mul3A_69, %scan3A_43 : i32
      %add3A_71 = arith.constant 1 : i32
      %add3A_72 = arith.addi %mul3A_70, %add3A_71 : i32
      %ge3A_73 = arith.constant 1 : i32
      %ge3A_74 = arith.cmpi sge, %add3A_72, %ge3A_73 : i32
      %convert_element_type3A_75 = arith.extui %ge3A_74 : i1 to i32
      %cond3A_76 = arith.constant 0 : i32
      %cond3A_77 = arith.cmpi ne, %convert_element_type3A_75, %cond3A_76 : i32
      scf.if %cond3A_77 {
        %dma_wait3A_305 = arith.constant 0 : i32
        %dma_wait3A_306 = tpu.memref_slice %arg4[%mul3A_4, %dma_wait3A_305] : memref<8192x8192xf32, #tpu.memory_space<hbm>> -> memref<4x8192xf32, #tpu.memory_space<hbm>>
        %dma_wait3A_307 = arith.constant 0 : i32
        %dma_wait3A_308 = tpu.memref_slice %arg4[%mul3A_4, %dma_wait3A_307] : memref<8192x8192xf32, #tpu.memory_space<hbm>> -> memref<4x8192xf32, #tpu.memory_space<hbm>>
        tpu.wait_dma2 semaphore(%arg12 : memref<!tpu.dma_semaphore, #tpu.memory_space<semaphore_mem>>) src(%arg6 : memref<4x8192xf32, #tpu.memory_space<vmem>>) dst(%dma_wait3A_308 : memref<4x8192xf32, #tpu.memory_space<hbm>>)
      } else {
      }
      %add3A_78 = arith.constant 2 : i32
      %add3A_79 = arith.addi %add3A_72, %add3A_78 : i32
      %lt3A_80 = arith.constant 64 : i32
      %lt3A_81 = arith.cmpi slt, %add3A_79, %lt3A_80 : i32
      %convert_element_type3A_82 = arith.extui %lt3A_81 : i1 to i32
      %cond3A_83 = arith.constant 0 : i32
      %cond3A_84 = arith.cmpi ne, %convert_element_type3A_82, %cond3A_83 : i32
      scf.if %cond3A_84 {
        %add3A_305 = arith.constant 2 : i32
        %add3A_306 = arith.addi %add3A_72, %add3A_305 : i32
        %dma_start3A_307 = arith.constant 0 : i32
        %dma_start3A_308 = tpu.memref_slice %arg5[%add3A_306, %dma_start3A_307] : memref<64x4xi32, #tpu.memory_space<vmem>> -> memref<1x4xi32, #tpu.memory_space<vmem>>
        %dma_start3A_309 = tpu.memref_squeeze %dma_start3A_308 : memref<1x4xi32, #tpu.memory_space<vmem>> -> memref<4xi32, #tpu.memory_space<vmem>>
        %dma_start3A_310 = arith.constant 0 : i32
        %dma_start3A_311 = arith.constant 0 : i32
        %dma_start3A_312 = tpu.memref_slice %arg3[%dma_start3A_310, %dma_start3A_311] : memref<8192x8192xf32, #tpu.memory_space<hbm>> -> memref<8192x8192xf32, #tpu.memory_space<hbm>>
        tpu.enqueue_indirect_dma source(%dma_start3A_312 : memref<8192x8192xf32, #tpu.memory_space<hbm>>) target(%arg6 : memref<4x8192xf32, #tpu.memory_space<vmem>>) offsets(%dma_start3A_309 : memref<4xi32, #tpu.memory_space<vmem>>) semaphore(%arg9 : memref<!tpu.dma_semaphore, #tpu.memory_space<semaphore_mem>>)
      } else {
      }
      %dma_wait3A_85 = arith.constant 0 : i32
      %dma_wait3A_86 = tpu.memref_slice %arg5[%add3A_72, %dma_wait3A_85] : memref<64x4xi32, #tpu.memory_space<vmem>> -> memref<1x4xi32, #tpu.memory_space<vmem>>
      %dma_wait3A_87 = tpu.memref_squeeze %dma_wait3A_86 : memref<1x4xi32, #tpu.memory_space<vmem>> -> memref<4xi32, #tpu.memory_space<vmem>>
      %dma_wait3A_88 = arith.constant 0 : i32
      %dma_wait3A_89 = arith.constant 0 : i32
      %dma_wait3A_90 = tpu.memref_slice %arg3[%dma_wait3A_88, %dma_wait3A_89] : memref<8192x8192xf32, #tpu.memory_space<hbm>> -> memref<8192x8192xf32, #tpu.memory_space<hbm>>
      tpu.wait_indirect_dma semaphore(%arg10 : memref<!tpu.dma_semaphore, #tpu.memory_space<semaphore_mem>>) src(%dma_wait3A_90 : memref<8192x8192xf32, #tpu.memory_space<hbm>>) dst(%arg7 : memref<4x8192xf32, #tpu.memory_space<vmem>>)
      %mul3A_91 = arith.constant 4 : i32
      %mul3A_92 = arith.muli %add3A_72, %mul3A_91 : i32
      %add3A_93 = arith.addi %mul3A_4, %mul3A_92 : i32
      %dma_start3A_94 = arith.constant 0 : i32
      %dma_start3A_95 = tpu.memref_slice %arg4[%add3A_93, %dma_start3A_94] : memref<8192x8192xf32, #tpu.memory_space<hbm>> -> memref<4x8192xf32, #tpu.memory_space<hbm>>
      %dma_start3A_96 = arith.constant 0 : i32
      %dma_start3A_97 = tpu.memref_slice %arg4[%add3A_93, %dma_start3A_96] : memref<8192x8192xf32, #tpu.memory_space<hbm>> -> memref<4x8192xf32, #tpu.memory_space<hbm>>
      tpu.enqueue_dma source(%arg7 : memref<4x8192xf32, #tpu.memory_space<vmem>>) target(%dma_start3A_97 : memref<4x8192xf32, #tpu.memory_space<hbm>>) target_semaphore(%arg13 : memref<!tpu.dma_semaphore, #tpu.memory_space<semaphore_mem>>)
      %mul3A_98 = arith.constant 3 : i32
      %mul3A_99 = arith.muli %mul3A_98, %scan3A_43 : i32
      %add3A_100 = arith.constant 2 : i32
      %add3A_101 = arith.addi %mul3A_99, %add3A_100 : i32
      %ge3A_102 = arith.constant 1 : i32
      %ge3A_103 = arith.cmpi sge, %add3A_101, %ge3A_102 : i32
      %convert_element_type3A_104 = arith.extui %ge3A_103 : i1 to i32
      %cond3A_105 = arith.constant 0 : i32
      %cond3A_106 = arith.cmpi ne, %convert_element_type3A_104, %cond3A_105 : i32
      scf.if %cond3A_106 {
        %dma_wait3A_305 = arith.constant 0 : i32
        %dma_wait3A_306 = tpu.memref_slice %arg4[%mul3A_4, %dma_wait3A_305] : memref<8192x8192xf32, #tpu.memory_space<hbm>> -> memref<4x8192xf32, #tpu.memory_space<hbm>>
        %dma_wait3A_307 = arith.constant 0 : i32
        %dma_wait3A_308 = tpu.memref_slice %arg4[%mul3A_4, %dma_wait3A_307] : memref<8192x8192xf32, #tpu.memory_space<hbm>> -> memref<4x8192xf32, #tpu.memory_space<hbm>>
        tpu.wait_dma2 semaphore(%arg13 : memref<!tpu.dma_semaphore, #tpu.memory_space<semaphore_mem>>) src(%arg7 : memref<4x8192xf32, #tpu.memory_space<vmem>>) dst(%dma_wait3A_308 : memref<4x8192xf32, #tpu.memory_space<hbm>>)
      } else {
      }
      %add3A_107 = arith.constant 2 : i32
      %add3A_108 = arith.addi %add3A_101, %add3A_107 : i32
      %lt3A_109 = arith.constant 64 : i32
      %lt3A_110 = arith.cmpi slt, %add3A_108, %lt3A_109 : i32
      %convert_element_type3A_111 = arith.extui %lt3A_110 : i1 to i32
      %cond3A_112 = arith.constant 0 : i32
      %cond3A_113 = arith.cmpi ne, %convert_element_type3A_111, %cond3A_112 : i32
      scf.if %cond3A_113 {
        %add3A_305 = arith.constant 2 : i32
        %add3A_306 = arith.addi %add3A_101, %add3A_305 : i32
        %dma_start3A_307 = arith.constant 0 : i32
        %dma_start3A_308 = tpu.memref_slice %arg5[%add3A_306, %dma_start3A_307] : memref<64x4xi32, #tpu.memory_space<vmem>> -> memref<1x4xi32, #tpu.memory_space<vmem>>
        %dma_start3A_309 = tpu.memref_squeeze %dma_start3A_308 : memref<1x4xi32, #tpu.memory_space<vmem>> -> memref<4xi32, #tpu.memory_space<vmem>>
        %dma_start3A_310 = arith.constant 0 : i32
        %dma_start3A_311 = arith.constant 0 : i32
        %dma_start3A_312 = tpu.memref_slice %arg3[%dma_start3A_310, %dma_start3A_311] : memref<8192x8192xf32, #tpu.memory_space<hbm>> -> memref<8192x8192xf32, #tpu.memory_space<hbm>>
        tpu.enqueue_indirect_dma source(%dma_start3A_312 : memref<8192x8192xf32, #tpu.memory_space<hbm>>) target(%arg7 : memref<4x8192xf32, #tpu.memory_space<vmem>>) offsets(%dma_start3A_309 : memref<4xi32, #tpu.memory_space<vmem>>) semaphore(%arg10 : memref<!tpu.dma_semaphore, #tpu.memory_space<semaphore_mem>>)
      } else {
      }
      %dma_wait3A_114 = arith.constant 0 : i32
      %dma_wait3A_115 = tpu.memref_slice %arg5[%add3A_101, %dma_wait3A_114] : memref<64x4xi32, #tpu.memory_space<vmem>> -> memref<1x4xi32, #tpu.memory_space<vmem>>
      %dma_wait3A_116 = tpu.memref_squeeze %dma_wait3A_115 : memref<1x4xi32, #tpu.memory_space<vmem>> -> memref<4xi32, #tpu.memory_space<vmem>>
      %dma_wait3A_117 = arith.constant 0 : i32
      %dma_wait3A_118 = arith.constant 0 : i32
      %dma_wait3A_119 = tpu.memref_slice %arg3[%dma_wait3A_117, %dma_wait3A_118] : memref<8192x8192xf32, #tpu.memory_space<hbm>> -> memref<8192x8192xf32, #tpu.memory_space<hbm>>
      tpu.wait_indirect_dma semaphore(%arg11 : memref<!tpu.dma_semaphore, #tpu.memory_space<semaphore_mem>>) src(%dma_wait3A_119 : memref<8192x8192xf32, #tpu.memory_space<hbm>>) dst(%arg8 : memref<4x8192xf32, #tpu.memory_space<vmem>>)
      %mul3A_120 = arith.constant 4 : i32
      %mul3A_121 = arith.muli %add3A_101, %mul3A_120 : i32
      %add3A_122 = arith.addi %mul3A_4, %mul3A_121 : i32
      %dma_start3A_123 = arith.constant 0 : i32
      %dma_start3A_124 = tpu.memref_slice %arg4[%add3A_122, %dma_start3A_123] : memref<8192x8192xf32, #tpu.memory_space<hbm>> -> memref<4x8192xf32, #tpu.memory_space<hbm>>
      %dma_start3A_125 = arith.constant 0 : i32
      %dma_start3A_126 = tpu.memref_slice %arg4[%add3A_122, %dma_start3A_125] : memref<8192x8192xf32, #tpu.memory_space<hbm>> -> memref<4x8192xf32, #tpu.memory_space<hbm>>
      tpu.enqueue_dma source(%arg8 : memref<4x8192xf32, #tpu.memory_space<vmem>>) target(%dma_start3A_126 : memref<4x8192xf32, #tpu.memory_space<hbm>>) target_semaphore(%arg14 : memref<!tpu.dma_semaphore, #tpu.memory_space<semaphore_mem>>)
      %scan3A_127 = arith.constant 1 : i32
      %scan3A_128 = arith.addi %scan3A_43, %scan3A_127 : i32
      %mul3A_129 = arith.constant 3 : i32
      %mul3A_130 = arith.muli %mul3A_129, %scan3A_128 : i32
      %add3A_131 = arith.constant 0 : i32
      %add3A_132 = arith.addi %mul3A_130, %add3A_131 : i32
      %ge3A_133 = arith.constant 1 : i32
      %ge3A_134 = arith.cmpi sge, %add3A_132, %ge3A_133 : i32
      %convert_element_type3A_135 = arith.extui %ge3A_134 : i1 to i32
      %cond3A_136 = arith.constant 0 : i32
      %cond3A_137 = arith.cmpi ne, %convert_element_type3A_135, %cond3A_136 : i32
      scf.if %cond3A_137 {
        %dma_wait3A_305 = arith.constant 0 : i32
        %dma_wait3A_306 = tpu.memref_slice %arg4[%mul3A_4, %dma_wait3A_305] : memref<8192x8192xf32, #tpu.memory_space<hbm>> -> memref<4x8192xf32, #tpu.memory_space<hbm>>
        %dma_wait3A_307 = arith.constant 0 : i32
        %dma_wait3A_308 = tpu.memref_slice %arg4[%mul3A_4, %dma_wait3A_307] : memref<8192x8192xf32, #tpu.memory_space<hbm>> -> memref<4x8192xf32, #tpu.memory_space<hbm>>
        tpu.wait_dma2 semaphore(%arg14 : memref<!tpu.dma_semaphore, #tpu.memory_space<semaphore_mem>>) src(%arg8 : memref<4x8192xf32, #tpu.memory_space<vmem>>) dst(%dma_wait3A_308 : memref<4x8192xf32, #tpu.memory_space<hbm>>)
      } else {
      }
      %add3A_138 = arith.constant 2 : i32
      %add3A_139 = arith.addi %add3A_132, %add3A_138 : i32
      %lt3A_140 = arith.constant 64 : i32
      %lt3A_141 = arith.cmpi slt, %add3A_139, %lt3A_140 : i32
      %convert_element_type3A_142 = arith.extui %lt3A_141 : i1 to i32
      %cond3A_143 = arith.constant 0 : i32
      %cond3A_144 = arith.cmpi ne, %convert_element_type3A_142, %cond3A_143 : i32
      scf.if %cond3A_144 {
        %add3A_305 = arith.constant 2 : i32
        %add3A_306 = arith.addi %add3A_132, %add3A_305 : i32
        %dma_start3A_307 = arith.constant 0 : i32
        %dma_start3A_308 = tpu.memref_slice %arg5[%add3A_306, %dma_start3A_307] : memref<64x4xi32, #tpu.memory_space<vmem>> -> memref<1x4xi32, #tpu.memory_space<vmem>>
        %dma_start3A_309 = tpu.memref_squeeze %dma_start3A_308 : memref<1x4xi32, #tpu.memory_space<vmem>> -> memref<4xi32, #tpu.memory_space<vmem>>
        %dma_start3A_310 = arith.constant 0 : i32
        %dma_start3A_311 = arith.constant 0 : i32
        %dma_start3A_312 = tpu.memref_slice %arg3[%dma_start3A_310, %dma_start3A_311] : memref<8192x8192xf32, #tpu.memory_space<hbm>> -> memref<8192x8192xf32, #tpu.memory_space<hbm>>
        tpu.enqueue_indirect_dma source(%dma_start3A_312 : memref<8192x8192xf32, #tpu.memory_space<hbm>>) target(%arg8 : memref<4x8192xf32, #tpu.memory_space<vmem>>) offsets(%dma_start3A_309 : memref<4xi32, #tpu.memory_space<vmem>>) semaphore(%arg11 : memref<!tpu.dma_semaphore, #tpu.memory_space<semaphore_mem>>)
      } else {
      }
      %dma_wait3A_145 = arith.constant 0 : i32
      %dma_wait3A_146 = tpu.memref_slice %arg5[%add3A_132, %dma_wait3A_145] : memref<64x4xi32, #tpu.memory_space<vmem>> -> memref<1x4xi32, #tpu.memory_space<vmem>>
      %dma_wait3A_147 = tpu.memref_squeeze %dma_wait3A_146 : memref<1x4xi32, #tpu.memory_space<vmem>> -> memref<4xi32, #tpu.memory_space<vmem>>
      %dma_wait3A_148 = arith.constant 0 : i32
      %dma_wait3A_149 = arith.constant 0 : i32
      %dma_wait3A_150 = tpu.memref_slice %arg3[%dma_wait3A_148, %dma_wait3A_149] : memref<8192x8192xf32, #tpu.memory_space<hbm>> -> memref<8192x8192xf32, #tpu.memory_space<hbm>>
      tpu.wait_indirect_dma semaphore(%arg9 : memref<!tpu.dma_semaphore, #tpu.memory_space<semaphore_mem>>) src(%dma_wait3A_150 : memref<8192x8192xf32, #tpu.memory_space<hbm>>) dst(%arg6 : memref<4x8192xf32, #tpu.memory_space<vmem>>)
      %mul3A_151 = arith.constant 4 : i32
      %mul3A_152 = arith.muli %add3A_132, %mul3A_151 : i32
      %add3A_153 = arith.addi %mul3A_4, %mul3A_152 : i32
      %dma_start3A_154 = arith.constant 0 : i32
      %dma_start3A_155 = tpu.memref_slice %arg4[%add3A_153, %dma_start3A_154] : memref<8192x8192xf32, #tpu.memory_space<hbm>> -> memref<4x8192xf32, #tpu.memory_space<hbm>>
      %dma_start3A_156 = arith.constant 0 : i32
      %dma_start3A_157 = tpu.memref_slice %arg4[%add3A_153, %dma_start3A_156] : memref<8192x8192xf32, #tpu.memory_space<hbm>> -> memref<4x8192xf32, #tpu.memory_space<hbm>>
      tpu.enqueue_dma source(%arg6 : memref<4x8192xf32, #tpu.memory_space<vmem>>) target(%dma_start3A_157 : memref<4x8192xf32, #tpu.memory_space<hbm>>) target_semaphore(%arg12 : memref<!tpu.dma_semaphore, #tpu.memory_space<semaphore_mem>>)
      %mul3A_158 = arith.constant 3 : i32
      %mul3A_159 = arith.muli %mul3A_158, %scan3A_128 : i32
      %add3A_160 = arith.constant 1 : i32
      %add3A_161 = arith.addi %mul3A_159, %add3A_160 : i32
      %ge3A_162 = arith.constant 1 : i32
      %ge3A_163 = arith.cmpi sge, %add3A_161, %ge3A_162 : i32
      %convert_element_type3A_164 = arith.extui %ge3A_163 : i1 to i32
      %cond3A_165 = arith.constant 0 : i32
      %cond3A_166 = arith.cmpi ne, %convert_element_type3A_164, %cond3A_165 : i32
      scf.if %cond3A_166 {
        %dma_wait3A_305 = arith.constant 0 : i32
        %dma_wait3A_306 = tpu.memref_slice %arg4[%mul3A_4, %dma_wait3A_305] : memref<8192x8192xf32, #tpu.memory_space<hbm>> -> memref<4x8192xf32, #tpu.memory_space<hbm>>
        %dma_wait3A_307 = arith.constant 0 : i32
        %dma_wait3A_308 = tpu.memref_slice %arg4[%mul3A_4, %dma_wait3A_307] : memref<8192x8192xf32, #tpu.memory_space<hbm>> -> memref<4x8192xf32, #tpu.memory_space<hbm>>
        tpu.wait_dma2 semaphore(%arg12 : memref<!tpu.dma_semaphore, #tpu.memory_space<semaphore_mem>>) src(%arg6 : memref<4x8192xf32, #tpu.memory_space<vmem>>) dst(%dma_wait3A_308 : memref<4x8192xf32, #tpu.memory_space<hbm>>)
      } else {
      }
      %add3A_167 = arith.constant 2 : i32
      %add3A_168 = arith.addi %add3A_161, %add3A_167 : i32
      %lt3A_169 = arith.constant 64 : i32
      %lt3A_170 = arith.cmpi slt, %add3A_168, %lt3A_169 : i32
      %convert_element_type3A_171 = arith.extui %lt3A_170 : i1 to i32
      %cond3A_172 = arith.constant 0 : i32
      %cond3A_173 = arith.cmpi ne, %convert_element_type3A_171, %cond3A_172 : i32
      scf.if %cond3A_173 {
        %add3A_305 = arith.constant 2 : i32
        %add3A_306 = arith.addi %add3A_161, %add3A_305 : i32
        %dma_start3A_307 = arith.constant 0 : i32
        %dma_start3A_308 = tpu.memref_slice %arg5[%add3A_306, %dma_start3A_307] : memref<64x4xi32, #tpu.memory_space<vmem>> -> memref<1x4xi32, #tpu.memory_space<vmem>>
        %dma_start3A_309 = tpu.memref_squeeze %dma_start3A_308 : memref<1x4xi32, #tpu.memory_space<vmem>> -> memref<4xi32, #tpu.memory_space<vmem>>
        %dma_start3A_310 = arith.constant 0 : i32
        %dma_start3A_311 = arith.constant 0 : i32
        %dma_start3A_312 = tpu.memref_slice %arg3[%dma_start3A_310, %dma_start3A_311] : memref<8192x8192xf32, #tpu.memory_space<hbm>> -> memref<8192x8192xf32, #tpu.memory_space<hbm>>
        tpu.enqueue_indirect_dma source(%dma_start3A_312 : memref<8192x8192xf32, #tpu.memory_space<hbm>>) target(%arg6 : memref<4x8192xf32, #tpu.memory_space<vmem>>) offsets(%dma_start3A_309 : memref<4xi32, #tpu.memory_space<vmem>>) semaphore(%arg9 : memref<!tpu.dma_semaphore, #tpu.memory_space<semaphore_mem>>)
      } else {
      }
      %dma_wait3A_174 = arith.constant 0 : i32
      %dma_wait3A_175 = tpu.memref_slice %arg5[%add3A_161, %dma_wait3A_174] : memref<64x4xi32, #tpu.memory_space<vmem>> -> memref<1x4xi32, #tpu.memory_space<vmem>>
      %dma_wait3A_176 = tpu.memref_squeeze %dma_wait3A_175 : memref<1x4xi32, #tpu.memory_space<vmem>> -> memref<4xi32, #tpu.memory_space<vmem>>
      %dma_wait3A_177 = arith.constant 0 : i32
      %dma_wait3A_178 = arith.constant 0 : i32
      %dma_wait3A_179 = tpu.memref_slice %arg3[%dma_wait3A_177, %dma_wait3A_178] : memref<8192x8192xf32, #tpu.memory_space<hbm>> -> memref<8192x8192xf32, #tpu.memory_space<hbm>>
      tpu.wait_indirect_dma semaphore(%arg10 : memref<!tpu.dma_semaphore, #tpu.memory_space<semaphore_mem>>) src(%dma_wait3A_179 : memref<8192x8192xf32, #tpu.memory_space<hbm>>) dst(%arg7 : memref<4x8192xf32, #tpu.memory_space<vmem>>)
      %mul3A_180 = arith.constant 4 : i32
      %mul3A_181 = arith.muli %add3A_161, %mul3A_180 : i32
      %add3A_182 = arith.addi %mul3A_4, %mul3A_181 : i32
      %dma_start3A_183 = arith.constant 0 : i32
      %dma_start3A_184 = tpu.memref_slice %arg4[%add3A_182, %dma_start3A_183] : memref<8192x8192xf32, #tpu.memory_space<hbm>> -> memref<4x8192xf32, #tpu.memory_space<hbm>>
      %dma_start3A_185 = arith.constant 0 : i32
      %dma_start3A_186 = tpu.memref_slice %arg4[%add3A_182, %dma_start3A_185] : memref<8192x8192xf32, #tpu.memory_space<hbm>> -> memref<4x8192xf32, #tpu.memory_space<hbm>>
      tpu.enqueue_dma source(%arg7 : memref<4x8192xf32, #tpu.memory_space<vmem>>) target(%dma_start3A_186 : memref<4x8192xf32, #tpu.memory_space<hbm>>) target_semaphore(%arg13 : memref<!tpu.dma_semaphore, #tpu.memory_space<semaphore_mem>>)
      %mul3A_187 = arith.constant 3 : i32
      %mul3A_188 = arith.muli %mul3A_187, %scan3A_128 : i32
      %add3A_189 = arith.constant 2 : i32
      %add3A_190 = arith.addi %mul3A_188, %add3A_189 : i32
      %ge3A_191 = arith.constant 1 : i32
      %ge3A_192 = arith.cmpi sge, %add3A_190, %ge3A_191 : i32
      %convert_element_type3A_193 = arith.extui %ge3A_192 : i1 to i32
      %cond3A_194 = arith.constant 0 : i32
      %cond3A_195 = arith.cmpi ne, %convert_element_type3A_193, %cond3A_194 : i32
      scf.if %cond3A_195 {
        %dma_wait3A_305 = arith.constant 0 : i32
        %dma_wait3A_306 = tpu.memref_slice %arg4[%mul3A_4, %dma_wait3A_305] : memref<8192x8192xf32, #tpu.memory_space<hbm>> -> memref<4x8192xf32, #tpu.memory_space<hbm>>
        %dma_wait3A_307 = arith.constant 0 : i32
        %dma_wait3A_308 = tpu.memref_slice %arg4[%mul3A_4, %dma_wait3A_307] : memref<8192x8192xf32, #tpu.memory_space<hbm>> -> memref<4x8192xf32, #tpu.memory_space<hbm>>
        tpu.wait_dma2 semaphore(%arg13 : memref<!tpu.dma_semaphore, #tpu.memory_space<semaphore_mem>>) src(%arg7 : memref<4x8192xf32, #tpu.memory_space<vmem>>) dst(%dma_wait3A_308 : memref<4x8192xf32, #tpu.memory_space<hbm>>)
      } else {
      }
      %add3A_196 = arith.constant 2 : i32
      %add3A_197 = arith.addi %add3A_190, %add3A_196 : i32
      %lt3A_198 = arith.constant 64 : i32
      %lt3A_199 = arith.cmpi slt, %add3A_197, %lt3A_198 : i32
      %convert_element_type3A_200 = arith.extui %lt3A_199 : i1 to i32
      %cond3A_201 = arith.constant 0 : i32
      %cond3A_202 = arith.cmpi ne, %convert_element_type3A_200, %cond3A_201 : i32
      scf.if %cond3A_202 {
        %add3A_305 = arith.constant 2 : i32
        %add3A_306 = arith.addi %add3A_190, %add3A_305 : i32
        %dma_start3A_307 = arith.constant 0 : i32
        %dma_start3A_308 = tpu.memref_slice %arg5[%add3A_306, %dma_start3A_307] : memref<64x4xi32, #tpu.memory_space<vmem>> -> memref<1x4xi32, #tpu.memory_space<vmem>>
        %dma_start3A_309 = tpu.memref_squeeze %dma_start3A_308 : memref<1x4xi32, #tpu.memory_space<vmem>> -> memref<4xi32, #tpu.memory_space<vmem>>
        %dma_start3A_310 = arith.constant 0 : i32
        %dma_start3A_311 = arith.constant 0 : i32
        %dma_start3A_312 = tpu.memref_slice %arg3[%dma_start3A_310, %dma_start3A_311] : memref<8192x8192xf32, #tpu.memory_space<hbm>> -> memref<8192x8192xf32, #tpu.memory_space<hbm>>
        tpu.enqueue_indirect_dma source(%dma_start3A_312 : memref<8192x8192xf32, #tpu.memory_space<hbm>>) target(%arg7 : memref<4x8192xf32, #tpu.memory_space<vmem>>) offsets(%dma_start3A_309 : memref<4xi32, #tpu.memory_space<vmem>>) semaphore(%arg10 : memref<!tpu.dma_semaphore, #tpu.memory_space<semaphore_mem>>)
      } else {
      }
      %dma_wait3A_203 = arith.constant 0 : i32
      %dma_wait3A_204 = tpu.memref_slice %arg5[%add3A_190, %dma_wait3A_203] : memref<64x4xi32, #tpu.memory_space<vmem>> -> memref<1x4xi32, #tpu.memory_space<vmem>>
      %dma_wait3A_205 = tpu.memref_squeeze %dma_wait3A_204 : memref<1x4xi32, #tpu.memory_space<vmem>> -> memref<4xi32, #tpu.memory_space<vmem>>
      %dma_wait3A_206 = arith.constant 0 : i32
      %dma_wait3A_207 = arith.constant 0 : i32
      %dma_wait3A_208 = tpu.memref_slice %arg3[%dma_wait3A_206, %dma_wait3A_207] : memref<8192x8192xf32, #tpu.memory_space<hbm>> -> memref<8192x8192xf32, #tpu.memory_space<hbm>>
      tpu.wait_indirect_dma semaphore(%arg11 : memref<!tpu.dma_semaphore, #tpu.memory_space<semaphore_mem>>) src(%dma_wait3A_208 : memref<8192x8192xf32, #tpu.memory_space<hbm>>) dst(%arg8 : memref<4x8192xf32, #tpu.memory_space<vmem>>)
      %mul3A_209 = arith.constant 4 : i32
      %mul3A_210 = arith.muli %add3A_190, %mul3A_209 : i32
      %add3A_211 = arith.addi %mul3A_4, %mul3A_210 : i32
      %dma_start3A_212 = arith.constant 0 : i32
      %dma_start3A_213 = tpu.memref_slice %arg4[%add3A_211, %dma_start3A_212] : memref<8192x8192xf32, #tpu.memory_space<hbm>> -> memref<4x8192xf32, #tpu.memory_space<hbm>>
      %dma_start3A_214 = arith.constant 0 : i32
      %dma_start3A_215 = tpu.memref_slice %arg4[%add3A_211, %dma_start3A_214] : memref<8192x8192xf32, #tpu.memory_space<hbm>> -> memref<4x8192xf32, #tpu.memory_space<hbm>>
      tpu.enqueue_dma source(%arg8 : memref<4x8192xf32, #tpu.memory_space<vmem>>) target(%dma_start3A_215 : memref<4x8192xf32, #tpu.memory_space<hbm>>) target_semaphore(%arg14 : memref<!tpu.dma_semaphore, #tpu.memory_space<semaphore_mem>>)
      %scan3A_216 = arith.constant 2 : i32
      %scan3A_217 = arith.addi %scan3A_43, %scan3A_216 : i32
      %mul3A_218 = arith.constant 3 : i32
      %mul3A_219 = arith.muli %mul3A_218, %scan3A_217 : i32
      %add3A_220 = arith.constant 0 : i32
      %add3A_221 = arith.addi %mul3A_219, %add3A_220 : i32
      %ge3A_222 = arith.constant 1 : i32
      %ge3A_223 = arith.cmpi sge, %add3A_221, %ge3A_222 : i32
      %convert_element_type3A_224 = arith.extui %ge3A_223 : i1 to i32
      %cond3A_225 = arith.constant 0 : i32
      %cond3A_226 = arith.cmpi ne, %convert_element_type3A_224, %cond3A_225 : i32
      scf.if %cond3A_226 {
        %dma_wait3A_305 = arith.constant 0 : i32
        %dma_wait3A_306 = tpu.memref_slice %arg4[%mul3A_4, %dma_wait3A_305] : memref<8192x8192xf32, #tpu.memory_space<hbm>> -> memref<4x8192xf32, #tpu.memory_space<hbm>>
        %dma_wait3A_307 = arith.constant 0 : i32
        %dma_wait3A_308 = tpu.memref_slice %arg4[%mul3A_4, %dma_wait3A_307] : memref<8192x8192xf32, #tpu.memory_space<hbm>> -> memref<4x8192xf32, #tpu.memory_space<hbm>>
        tpu.wait_dma2 semaphore(%arg14 : memref<!tpu.dma_semaphore, #tpu.memory_space<semaphore_mem>>) src(%arg8 : memref<4x8192xf32, #tpu.memory_space<vmem>>) dst(%dma_wait3A_308 : memref<4x8192xf32, #tpu.memory_space<hbm>>)
      } else {
      }
      %add3A_227 = arith.constant 2 : i32
      %add3A_228 = arith.addi %add3A_221, %add3A_227 : i32
      %lt3A_229 = arith.constant 64 : i32
      %lt3A_230 = arith.cmpi slt, %add3A_228, %lt3A_229 : i32
      %convert_element_type3A_231 = arith.extui %lt3A_230 : i1 to i32
      %cond3A_232 = arith.constant 0 : i32
      %cond3A_233 = arith.cmpi ne, %convert_element_type3A_231, %cond3A_232 : i32
      scf.if %cond3A_233 {
        %add3A_305 = arith.constant 2 : i32
        %add3A_306 = arith.addi %add3A_221, %add3A_305 : i32
        %dma_start3A_307 = arith.constant 0 : i32
        %dma_start3A_308 = tpu.memref_slice %arg5[%add3A_306, %dma_start3A_307] : memref<64x4xi32, #tpu.memory_space<vmem>> -> memref<1x4xi32, #tpu.memory_space<vmem>>
        %dma_start3A_309 = tpu.memref_squeeze %dma_start3A_308 : memref<1x4xi32, #tpu.memory_space<vmem>> -> memref<4xi32, #tpu.memory_space<vmem>>
        %dma_start3A_310 = arith.constant 0 : i32
        %dma_start3A_311 = arith.constant 0 : i32
        %dma_start3A_312 = tpu.memref_slice %arg3[%dma_start3A_310, %dma_start3A_311] : memref<8192x8192xf32, #tpu.memory_space<hbm>> -> memref<8192x8192xf32, #tpu.memory_space<hbm>>
        tpu.enqueue_indirect_dma source(%dma_start3A_312 : memref<8192x8192xf32, #tpu.memory_space<hbm>>) target(%arg8 : memref<4x8192xf32, #tpu.memory_space<vmem>>) offsets(%dma_start3A_309 : memref<4xi32, #tpu.memory_space<vmem>>) semaphore(%arg11 : memref<!tpu.dma_semaphore, #tpu.memory_space<semaphore_mem>>)
      } else {
      }
      %dma_wait3A_234 = arith.constant 0 : i32
      %dma_wait3A_235 = tpu.memref_slice %arg5[%add3A_221, %dma_wait3A_234] : memref<64x4xi32, #tpu.memory_space<vmem>> -> memref<1x4xi32, #tpu.memory_space<vmem>>
      %dma_wait3A_236 = tpu.memref_squeeze %dma_wait3A_235 : memref<1x4xi32, #tpu.memory_space<vmem>> -> memref<4xi32, #tpu.memory_space<vmem>>
      %dma_wait3A_237 = arith.constant 0 : i32
      %dma_wait3A_238 = arith.constant 0 : i32
      %dma_wait3A_239 = tpu.memref_slice %arg3[%dma_wait3A_237, %dma_wait3A_238] : memref<8192x8192xf32, #tpu.memory_space<hbm>> -> memref<8192x8192xf32, #tpu.memory_space<hbm>>
      tpu.wait_indirect_dma semaphore(%arg9 : memref<!tpu.dma_semaphore, #tpu.memory_space<semaphore_mem>>) src(%dma_wait3A_239 : memref<8192x8192xf32, #tpu.memory_space<hbm>>) dst(%arg6 : memref<4x8192xf32, #tpu.memory_space<vmem>>)
      %mul3A_240 = arith.constant 4 : i32
      %mul3A_241 = arith.muli %add3A_221, %mul3A_240 : i32
      %add3A_242 = arith.addi %mul3A_4, %mul3A_241 : i32
      %dma_start3A_243 = arith.constant 0 : i32
      %dma_start3A_244 = tpu.memref_slice %arg4[%add3A_242, %dma_start3A_243] : memref<8192x8192xf32, #tpu.memory_space<hbm>> -> memref<4x8192xf32, #tpu.memory_space<hbm>>
      %dma_start3A_245 = arith.constant 0 : i32
      %dma_start3A_246 = tpu.memref_slice %arg4[%add3A_242, %dma_start3A_245] : memref<8192x8192xf32, #tpu.memory_space<hbm>> -> memref<4x8192xf32, #tpu.memory_space<hbm>>
      tpu.enqueue_dma source(%arg6 : memref<4x8192xf32, #tpu.memory_space<vmem>>) target(%dma_start3A_246 : memref<4x8192xf32, #tpu.memory_space<hbm>>) target_semaphore(%arg12 : memref<!tpu.dma_semaphore, #tpu.memory_space<semaphore_mem>>)
      %mul3A_247 = arith.constant 3 : i32
      %mul3A_248 = arith.muli %mul3A_247, %scan3A_217 : i32
      %add3A_249 = arith.constant 1 : i32
      %add3A_250 = arith.addi %mul3A_248, %add3A_249 : i32
      %ge3A_251 = arith.constant 1 : i32
      %ge3A_252 = arith.cmpi sge, %add3A_250, %ge3A_251 : i32
      %convert_element_type3A_253 = arith.extui %ge3A_252 : i1 to i32
      %cond3A_254 = arith.constant 0 : i32
      %cond3A_255 = arith.cmpi ne, %convert_element_type3A_253, %cond3A_254 : i32
      scf.if %cond3A_255 {
        %dma_wait3A_305 = arith.constant 0 : i32
        %dma_wait3A_306 = tpu.memref_slice %arg4[%mul3A_4, %dma_wait3A_305] : memref<8192x8192xf32, #tpu.memory_space<hbm>> -> memref<4x8192xf32, #tpu.memory_space<hbm>>
        %dma_wait3A_307 = arith.constant 0 : i32
        %dma_wait3A_308 = tpu.memref_slice %arg4[%mul3A_4, %dma_wait3A_307] : memref<8192x8192xf32, #tpu.memory_space<hbm>> -> memref<4x8192xf32, #tpu.memory_space<hbm>>
        tpu.wait_dma2 semaphore(%arg12 : memref<!tpu.dma_semaphore, #tpu.memory_space<semaphore_mem>>) src(%arg6 : memref<4x8192xf32, #tpu.memory_space<vmem>>) dst(%dma_wait3A_308 : memref<4x8192xf32, #tpu.memory_space<hbm>>)
      } else {
      }
      %add3A_256 = arith.constant 2 : i32
      %add3A_257 = arith.addi %add3A_250, %add3A_256 : i32
      %lt3A_258 = arith.constant 64 : i32
      %lt3A_259 = arith.cmpi slt, %add3A_257, %lt3A_258 : i32
      %convert_element_type3A_260 = arith.extui %lt3A_259 : i1 to i32
      %cond3A_261 = arith.constant 0 : i32
      %cond3A_262 = arith.cmpi ne, %convert_element_type3A_260, %cond3A_261 : i32
      scf.if %cond3A_262 {
        %add3A_305 = arith.constant 2 : i32
        %add3A_306 = arith.addi %add3A_250, %add3A_305 : i32
        %dma_start3A_307 = arith.constant 0 : i32
        %dma_start3A_308 = tpu.memref_slice %arg5[%add3A_306, %dma_start3A_307] : memref<64x4xi32, #tpu.memory_space<vmem>> -> memref<1x4xi32, #tpu.memory_space<vmem>>
        %dma_start3A_309 = tpu.memref_squeeze %dma_start3A_308 : memref<1x4xi32, #tpu.memory_space<vmem>> -> memref<4xi32, #tpu.memory_space<vmem>>
        %dma_start3A_310 = arith.constant 0 : i32
        %dma_start3A_311 = arith.constant 0 : i32
        %dma_start3A_312 = tpu.memref_slice %arg3[%dma_start3A_310, %dma_start3A_311] : memref<8192x8192xf32, #tpu.memory_space<hbm>> -> memref<8192x8192xf32, #tpu.memory_space<hbm>>
        tpu.enqueue_indirect_dma source(%dma_start3A_312 : memref<8192x8192xf32, #tpu.memory_space<hbm>>) target(%arg6 : memref<4x8192xf32, #tpu.memory_space<vmem>>) offsets(%dma_start3A_309 : memref<4xi32, #tpu.memory_space<vmem>>) semaphore(%arg9 : memref<!tpu.dma_semaphore, #tpu.memory_space<semaphore_mem>>)
      } else {
      }
      %dma_wait3A_263 = arith.constant 0 : i32
      %dma_wait3A_264 = tpu.memref_slice %arg5[%add3A_250, %dma_wait3A_263] : memref<64x4xi32, #tpu.memory_space<vmem>> -> memref<1x4xi32, #tpu.memory_space<vmem>>
      %dma_wait3A_265 = tpu.memref_squeeze %dma_wait3A_264 : memref<1x4xi32, #tpu.memory_space<vmem>> -> memref<4xi32, #tpu.memory_space<vmem>>
      %dma_wait3A_266 = arith.constant 0 : i32
      %dma_wait3A_267 = arith.constant 0 : i32
      %dma_wait3A_268 = tpu.memref_slice %arg3[%dma_wait3A_266, %dma_wait3A_267] : memref<8192x8192xf32, #tpu.memory_space<hbm>> -> memref<8192x8192xf32, #tpu.memory_space<hbm>>
      tpu.wait_indirect_dma semaphore(%arg10 : memref<!tpu.dma_semaphore, #tpu.memory_space<semaphore_mem>>) src(%dma_wait3A_268 : memref<8192x8192xf32, #tpu.memory_space<hbm>>) dst(%arg7 : memref<4x8192xf32, #tpu.memory_space<vmem>>)
      %mul3A_269 = arith.constant 4 : i32
      %mul3A_270 = arith.muli %add3A_250, %mul3A_269 : i32
      %add3A_271 = arith.addi %mul3A_4, %mul3A_270 : i32
      %dma_start3A_272 = arith.constant 0 : i32
      %dma_start3A_273 = tpu.memref_slice %arg4[%add3A_271, %dma_start3A_272] : memref<8192x8192xf32, #tpu.memory_space<hbm>> -> memref<4x8192xf32, #tpu.memory_space<hbm>>
      %dma_start3A_274 = arith.constant 0 : i32
      %dma_start3A_275 = tpu.memref_slice %arg4[%add3A_271, %dma_start3A_274] : memref<8192x8192xf32, #tpu.memory_space<hbm>> -> memref<4x8192xf32, #tpu.memory_space<hbm>>
      tpu.enqueue_dma source(%arg7 : memref<4x8192xf32, #tpu.memory_space<vmem>>) target(%dma_start3A_275 : memref<4x8192xf32, #tpu.memory_space<hbm>>) target_semaphore(%arg13 : memref<!tpu.dma_semaphore, #tpu.memory_space<semaphore_mem>>)
      %mul3A_276 = arith.constant 3 : i32
      %mul3A_277 = arith.muli %mul3A_276, %scan3A_217 : i32
      %add3A_278 = arith.constant 2 : i32
      %add3A_279 = arith.addi %mul3A_277, %add3A_278 : i32
      %ge3A_280 = arith.constant 1 : i32
      %ge3A_281 = arith.cmpi sge, %add3A_279, %ge3A_280 : i32
      %convert_element_type3A_282 = arith.extui %ge3A_281 : i1 to i32
      %cond3A_283 = arith.constant 0 : i32
      %cond3A_284 = arith.cmpi ne, %convert_element_type3A_282, %cond3A_283 : i32
      scf.if %cond3A_284 {
        %dma_wait3A_305 = arith.constant 0 : i32
        %dma_wait3A_306 = tpu.memref_slice %arg4[%mul3A_4, %dma_wait3A_305] : memref<8192x8192xf32, #tpu.memory_space<hbm>> -> memref<4x8192xf32, #tpu.memory_space<hbm>>
        %dma_wait3A_307 = arith.constant 0 : i32
        %dma_wait3A_308 = tpu.memref_slice %arg4[%mul3A_4, %dma_wait3A_307] : memref<8192x8192xf32, #tpu.memory_space<hbm>> -> memref<4x8192xf32, #tpu.memory_space<hbm>>
        tpu.wait_dma2 semaphore(%arg13 : memref<!tpu.dma_semaphore, #tpu.memory_space<semaphore_mem>>) src(%arg7 : memref<4x8192xf32, #tpu.memory_space<vmem>>) dst(%dma_wait3A_308 : memref<4x8192xf32, #tpu.memory_space<hbm>>)
      } else {
      }
      %add3A_285 = arith.constant 2 : i32
      %add3A_286 = arith.addi %add3A_279, %add3A_285 : i32
      %lt3A_287 = arith.constant 64 : i32
      %lt3A_288 = arith.cmpi slt, %add3A_286, %lt3A_287 : i32
      %convert_element_type3A_289 = arith.extui %lt3A_288 : i1 to i32
      %cond3A_290 = arith.constant 0 : i32
      %cond3A_291 = arith.cmpi ne, %convert_element_type3A_289, %cond3A_290 : i32
      scf.if %cond3A_291 {
        %add3A_305 = arith.constant 2 : i32
        %add3A_306 = arith.addi %add3A_279, %add3A_305 : i32
        %dma_start3A_307 = arith.constant 0 : i32
        %dma_start3A_308 = tpu.memref_slice %arg5[%add3A_306, %dma_start3A_307] : memref<64x4xi32, #tpu.memory_space<vmem>> -> memref<1x4xi32, #tpu.memory_space<vmem>>
        %dma_start3A_309 = tpu.memref_squeeze %dma_start3A_308 : memref<1x4xi32, #tpu.memory_space<vmem>> -> memref<4xi32, #tpu.memory_space<vmem>>
        %dma_start3A_310 = arith.constant 0 : i32
        %dma_start3A_311 = arith.constant 0 : i32
        %dma_start3A_312 = tpu.memref_slice %arg3[%dma_start3A_310, %dma_start3A_311] : memref<8192x8192xf32, #tpu.memory_space<hbm>> -> memref<8192x8192xf32, #tpu.memory_space<hbm>>
        tpu.enqueue_indirect_dma source(%dma_start3A_312 : memref<8192x8192xf32, #tpu.memory_space<hbm>>) target(%arg7 : memref<4x8192xf32, #tpu.memory_space<vmem>>) offsets(%dma_start3A_309 : memref<4xi32, #tpu.memory_space<vmem>>) semaphore(%arg10 : memref<!tpu.dma_semaphore, #tpu.memory_space<semaphore_mem>>)
      } else {
      }
      %dma_wait3A_292 = arith.constant 0 : i32
      %dma_wait3A_293 = tpu.memref_slice %arg5[%add3A_279, %dma_wait3A_292] : memref<64x4xi32, #tpu.memory_space<vmem>> -> memref<1x4xi32, #tpu.memory_space<vmem>>
      %dma_wait3A_294 = tpu.memref_squeeze %dma_wait3A_293 : memref<1x4xi32, #tpu.memory_space<vmem>> -> memref<4xi32, #tpu.memory_space<vmem>>
      %dma_wait3A_295 = arith.constant 0 : i32
      %dma_wait3A_296 = arith.constant 0 : i32
      %dma_wait3A_297 = tpu.memref_slice %arg3[%dma_wait3A_295, %dma_wait3A_296] : memref<8192x8192xf32, #tpu.memory_space<hbm>> -> memref<8192x8192xf32, #tpu.memory_space<hbm>>
      tpu.wait_indirect_dma semaphore(%arg11 : memref<!tpu.dma_semaphore, #tpu.memory_space<semaphore_mem>>) src(%dma_wait3A_297 : memref<8192x8192xf32, #tpu.memory_space<hbm>>) dst(%arg8 : memref<4x8192xf32, #tpu.memory_space<vmem>>)
      %mul3A_298 = arith.constant 4 : i32
      %mul3A_299 = arith.muli %add3A_279, %mul3A_298 : i32
      %add3A_300 = arith.addi %mul3A_4, %mul3A_299 : i32
      %dma_start3A_301 = arith.constant 0 : i32
      %dma_start3A_302 = tpu.memref_slice %arg4[%add3A_300, %dma_start3A_301] : memref<8192x8192xf32, #tpu.memory_space<hbm>> -> memref<4x8192xf32, #tpu.memory_space<hbm>>
      %dma_start3A_303 = arith.constant 0 : i32
      %dma_start3A_304 = tpu.memref_slice %arg4[%add3A_300, %dma_start3A_303] : memref<8192x8192xf32, #tpu.memory_space<hbm>> -> memref<4x8192xf32, #tpu.memory_space<hbm>>
      tpu.enqueue_dma source(%arg8 : memref<4x8192xf32, #tpu.memory_space<vmem>>) target(%dma_start3A_304 : memref<4x8192xf32, #tpu.memory_space<hbm>>) target_semaphore(%arg14 : memref<!tpu.dma_semaphore, #tpu.memory_space<semaphore_mem>>)
    }
    %scan3A_22 = arith.constant 21 : i32
    %dma_wait3A = arith.constant 63 : i32
    %dma_wait3A_23 = arith.constant 0 : i32
    %dma_wait3A_24 = tpu.memref_slice %arg5[%dma_wait3A, %dma_wait3A_23] : memref<64x4xi32, #tpu.memory_space<vmem>> -> memref<1x4xi32, #tpu.memory_space<vmem>>
    %dma_wait3A_25 = tpu.memref_squeeze %dma_wait3A_24 : memref<1x4xi32, #tpu.memory_space<vmem>> -> memref<4xi32, #tpu.memory_space<vmem>>
    %dma_wait3A_26 = arith.constant 0 : i32
    %dma_wait3A_27 = arith.constant 0 : i32
    %dma_wait3A_28 = tpu.memref_slice %arg3[%dma_wait3A_26, %dma_wait3A_27] : memref<8192x8192xf32, #tpu.memory_space<hbm>> -> memref<8192x8192xf32, #tpu.memory_space<hbm>>
    tpu.wait_indirect_dma semaphore(%arg9 : memref<!tpu.dma_semaphore, #tpu.memory_space<semaphore_mem>>) src(%dma_wait3A_28 : memref<8192x8192xf32, #tpu.memory_space<hbm>>) dst(%arg6 : memref<4x8192xf32, #tpu.memory_space<vmem>>)
    %add3A_29 = arith.constant 252 : i32
    %add3A_30 = arith.addi %mul3A_4, %add3A_29 : i32
    %dma_start3A_31 = arith.constant 0 : i32
    %dma_start3A_32 = tpu.memref_slice %arg4[%add3A_30, %dma_start3A_31] : memref<8192x8192xf32, #tpu.memory_space<hbm>> -> memref<4x8192xf32, #tpu.memory_space<hbm>>
    %dma_start3A_33 = arith.constant 0 : i32
    %dma_start3A_34 = tpu.memref_slice %arg4[%add3A_30, %dma_start3A_33] : memref<8192x8192xf32, #tpu.memory_space<hbm>> -> memref<4x8192xf32, #tpu.memory_space<hbm>>
    tpu.enqueue_dma source(%arg6 : memref<4x8192xf32, #tpu.memory_space<vmem>>) target(%dma_start3A_34 : memref<4x8192xf32, #tpu.memory_space<hbm>>) target_semaphore(%arg12 : memref<!tpu.dma_semaphore, #tpu.memory_space<semaphore_mem>>)
    %dma_wait3A_35 = arith.constant 0 : i32
    %dma_wait3A_36 = tpu.memref_slice %arg4[%mul3A_4, %dma_wait3A_35] : memref<8192x8192xf32, #tpu.memory_space<hbm>> -> memref<4x8192xf32, #tpu.memory_space<hbm>>
    %dma_wait3A_37 = arith.constant 0 : i32
    %dma_wait3A_38 = tpu.memref_slice %arg4[%mul3A_4, %dma_wait3A_37] : memref<8192x8192xf32, #tpu.memory_space<hbm>> -> memref<4x8192xf32, #tpu.memory_space<hbm>>
    tpu.wait_dma2 semaphore(%arg14 : memref<!tpu.dma_semaphore, #tpu.memory_space<semaphore_mem>>) src(%arg8 : memref<4x8192xf32, #tpu.memory_space<vmem>>) dst(%dma_wait3A_38 : memref<4x8192xf32, #tpu.memory_space<hbm>>)
    %dma_wait3A_39 = arith.constant 0 : i32
    %dma_wait3A_40 = tpu.memref_slice %arg4[%mul3A_4, %dma_wait3A_39] : memref<8192x8192xf32, #tpu.memory_space<hbm>> -> memref<4x8192xf32, #tpu.memory_space<hbm>>
    %dma_wait3A_41 = arith.constant 0 : i32
    %dma_wait3A_42 = tpu.memref_slice %arg4[%mul3A_4, %dma_wait3A_41] : memref<8192x8192xf32, #tpu.memory_space<hbm>> -> memref<4x8192xf32, #tpu.memory_space<hbm>>
    tpu.wait_dma2 semaphore(%arg12 : memref<!tpu.dma_semaphore, #tpu.memory_space<semaphore_mem>>) src(%arg6 : memref<4x8192xf32, #tpu.memory_space<vmem>>) dst(%dma_wait3A_42 : memref<4x8192xf32, #tpu.memory_space<hbm>>)
    return
  }
}

</mosaic_0001>

<sc_bundles>
// kernel: kernel.3.cloned.1.call-start
scs
__scs_entry_jumppad:
0x0: {  	(pc) =	sbr.rel $0x88, $3  }
0x1: {  	(tag) =	ssettag $0x0;
	lr =	simm.s32 $0x1  }
0x2: {  	[smem:$0x3F9F] =	sst lr;
	_ =	strace $0xD0000000  }
0x3: {  	_ = 	snop  }
0x4: {  	_ = 	snop  }
0x5: {  	_ = 	snop  }
0x6: {  	_ = 	snop  }
0x7: {  	_ = 	snop  }
__scs_overlays_trampoline_lowered:
0x8: {  	[smem:$0x3FAE] =	sst s0  }
0x9: {  	[smem:$0x3FAF] =	sst s1  }
0xa: {  	[smem:$0x3FB0] =	sst s2  }
0xb: {  	[smem:$0x3FB1] =	sst s3  }
0xc: {  	[smem:$0x3FB2] =	sst s4  }
0xd: {  	[smem:$0x3FB3] =	sst s5  }
0xe: {  	[smem:$0x3FB4] =	sst s6  }
0xf: {  	[smem:$0x3FB5] =	sst s7  }
0x10: {  	[smem:$0x3FB6] =	sst s8  }
0x11: {  	[smem:$0x3FB7] =	sst s9;
	s0 =	simm.s32 @!p0 $0x0  }
0x12: {  	s1 =	sld [smem:$0x3F9D];
	s0 =	simm.s32 @p0 $0x1  }
0x13: {  	[smem:$0x3FB8] =	sst s0;
	s0 =	simm.s32 @!p1 $0x0  }
0x14: {  	s2 =	sld [smem:$0x3F9C];
	s0 =	simm.s32 @p1 $0x1  }
0x15: {  	[smem:$0x3FB9] =	sst s0;
	s0 =	simm.s32 @!p2 $0x0  }
0x16: {  	s3 =	sld [smem:$0x3FDB];
	s0 =	simm.s32 @p2 $0x1  }
0x17: {  	s4 =	simm.s32 $0x1BF5;
	[smem:$0x3FBB] =	sst s0  }
0x18: {  	s0 =	sld [smem:$0x3F9E];
	_ =	swait.ge [sflag:s4], $0x0  }
0x19: {  	s7 =	sld [smem:$0x3F9F]  }
0x1a: {  	s8 =	sadd.s32 $0xFFFFE003, lr  }
0x1b: {  	s9 =	sadd.s32 $0xFFFFFEF7, lr;
	s5 =	simm.s32 $0xFFFFFFFF;
	p2 =	slt.u32 s8, $0xFFFFF086  }
0x1c: {  	p1 =	slt.u32 s9, $0xF7A;
	s5 =	simm.s32 @!p2 $0x0  }
0x1d: {  	s5 =	simm.s32 @p1 $0x1;
	p0 =	seq.s32 s7, s2  }
0x1e: {  	s7 =	smul.u32 @!p0 $0xF7A, s2;
	p2 =	seq.s32 @!p0 s5, $0x0  }
0x1f: {  	s9 =	smul.u32 $0xF7A, s1;
	s8 =	simm.s32 @!p0 $0x1BF5;
	p2 =	por !p2, p0  }
0x20: {  	[sflag:s8] =	ssyncset.s32 @!p0 $0xFFFFF086;
	s6 =	sadd.s32 @!p0 s3, s7;
	s7 =	simm.s32 @!p0 $0x108  }
0x21: {  	s3 =	sadd.s32 s3, s9;
	s6 =	sadd.s32 @!p0 $0x88, s6;
	s7 =	simm.s32 @p2 $0x1082  }
0x22: {  	[simem:s7], [sflag:s8] =	dma.local @!p0 [hbm:s6], $0xF7A  }
0x23: {  	s9 =	sor.u32 $0xD0000000, s2;
	s6 =	simm.s32 $0x108;
	_ =	swait.ge @!p0 [sflag:s8], $0x0  }
0x24: {  	s3 =	sadd.s32 $0x88, s3;
	s6 =	simm.s32 @!p1 $0x1082;
	[sflag:s4] =	ssyncset.s32 $0xFFFFF086  }
0x25: {  	[simem:s6], [sflag:s4] =	dma.local [hbm:s3], $0xF7A  }
0x26: {  	[smem:$0x3F9F] =	sst s1;
	(tag) =	ssettag s2;
	_ =	strace s9  }
0x27: {  	s1 =	sld [smem:$0x3FAF]  }
0x28: {  	s2 =	sld [smem:$0x3FB0]  }
0x29: {  	s4 =	sld [smem:$0x3FB2]  }
0x2a: {  	p0 =	seq.s32 s5, $0x0;
	s5 =	sld [smem:$0x3FB3]  }
0x2b: {  	s6 =	sld [smem:$0x3FB4]  }
0x2c: {  	s7 =	sld [smem:$0x3FB5]  }
0x2d: {  	s3 =	simm.s32 $0x108;
	s8 =	sld [smem:$0x3FB6]  }
0x2e: {  	s3 =	simm.s32 @!p0 $0x1082;
	s9 =	sld [smem:$0x3FB7]  }
0x2f: {  	lr =	sadd.s32 s0, s3;
	s0 =	sld [smem:$0x3FAE]  }
0x30: {  	s3 =	sld [smem:$0x3FB1]  }
0x31: {  	[smem:$0x3FBA] =	sst s10  }
0x32: {  	s10 =	sld [smem:$0x3FB8];
	_ =	sdelay $0x3  }
0x33: {  	p0 =	seq.s32 s10, $0x1;
	s10 =	sld [smem:$0x3FBA];
	_ =	sdelay $0x3  }
0x34: {  	[smem:$0x3FBA] =	sst s10  }
0x35: {  	s10 =	sld [smem:$0x3FB9];
	_ =	sdelay $0x3  }
0x36: {  	p1 =	seq.s32 s10, $0x1;
	s10 =	sld [smem:$0x3FBA];
	_ =	sdelay $0x3  }
0x37: {  	[smem:$0x3FBA] =	sst s10  }
0x38: {  	s10 =	sld [smem:$0x3FBB]  }
0x39: {  	_ = 	snop;
	(pc) =	sbr.ind lr, $3  }
0x3a: {  	_ = 	snop  }
0x3b: {  	_ = 	snop  }
0x3c: {  	p2 =	seq.s32 s10, $0x1;
	s10 =	sld [smem:$0x3FBA]  }
0x3d: {  	_ =	shalt  }
0x3e: {  	_ =	shalt  }
0x3f: {  	_ =	shalt  }
0x40: {  	_ =	shalt  }
0x41: {  	_ =	shalt  }
0x42: {  	_ =	shalt  }
0x43: {  	_ =	shalt  }
0x44: {  	_ =	shalt  }
0x45: {  	_ =	shalt  }
0x46: {  	_ =	shalt  }
0x47: {  	_ =	shalt  }
0x48: {  	_ =	shalt  }
0x49: {  	_ =	shalt  }
0x4a: {  	_ =	shalt  }
0x4b: {  	_ =	shalt  }
0x4c: {  	_ =	shalt  }
0x4d: {  	_ =	shalt  }
0x4e: {  	_ =	shalt  }
0x4f: {  	_ =	shalt  }
0x50: {  	_ =	shalt  }
0x51: {  	_ =	shalt  }
0x52: {  	_ =	shalt  }
0x53: {  	_ =	shalt  }
0x54: {  	_ =	shalt  }
0x55: {  	_ =	shalt  }
0x56: {  	_ =	shalt  }
0x57: {  	_ =	shalt  }
0x58: {  	_ =	shalt  }
0x59: {  	_ =	shalt  }
0x5a: {  	_ =	shalt  }
0x5b: {  	_ =	shalt  }
0x5c: {  	_ =	shalt  }
0x5d: {  	_ =	shalt  }
0x5e: {  	_ =	shalt  }
0x5f: {  	_ =	shalt  }
0x60: {  	_ =	shalt  }
0x61: {  	_ =	shalt  }
0x62: {  	_ =	shalt  }
0x63: {  	_ =	shalt  }
0x64: {  	_ =	shalt  }
0x65: {  	_ =	shalt  }
0x66: {  	_ =	shalt  }
0x67: {  	_ =	shalt  }
0x68: {  	_ =	shalt  }
0x69: {  	_ =	shalt  }
0x6a: {  	_ =	shalt  }
0x6b: {  	_ =	shalt  }
0x6c: {  	_ =	shalt  }
0x6d: {  	_ =	shalt  }
0x6e: {  	_ =	shalt  }
0x6f: {  	_ =	shalt  }
0x70: {  	_ =	shalt  }
0x71: {  	_ =	shalt  }
0x72: {  	_ =	shalt  }
0x73: {  	_ =	shalt  }
0x74: {  	_ =	shalt  }
0x75: {  	_ =	shalt  }
0x76: {  	_ =	shalt  }
0x77: {  	_ =	shalt  }
0x78: {  	_ =	shalt  }
0x79: {  	_ =	shalt  }
0x7a: {  	_ =	shalt  }
0x7b: {  	_ =	shalt  }
0x7c: {  	_ =	shalt  }
0x7d: {  	_ =	shalt  }
0x7e: {  	_ =	shalt  }
0x7f: {  	_ =	shalt  }
0x80: {  	_ =	shalt  }
0x81: {  	_ =	shalt  }
0x82: {  	_ =	shalt  }
0x83: {  	_ =	shalt  }
0x84: {  	_ =	shalt  }
0x85: {  	_ =	shalt  }
0x86: {  	_ =	shalt  }
0x87: {  	_ =	shalt  }
.Lfunc_end0:
.L_simem_size_0:
called_computation_lowered:
.L_overlay_start_0:
0x88: {  	s2 =	sld [smem:$0x3FD9]  }
0x89: {  	s3 =	sld [smem:$0x3FFE];
	_ =	sdelay $0x1  }
0x8a: {  	s1 =	srdreg.scid  }
0x8b: {  	s0 =	sand.u32 $0x1, s1  }
0x8c: {  	s17 =	sshll.u32 s0, $0xA;
	s2 =	sadd.s32 s3, s2  }
0x8d: {  	s2 =	sadd.s32 s2, s17  }
0x8e: {  	[smem:$0x3FC6] =	sst s2  }
0x8f: {  	_ = 	snop  }
0x90: {  	s2 =	sld [smem:$0x3FC8]  }
0x91: {  	s18 =	sld [smem:$0x3FD0];
	(tm) =	ssettm $0x1  }
0x92: {  	s4 =	sld [smem:$0x3FFB];
	_ =	sdelay $0x3  }
0x93: {  	_ =	strace s4  }
0x94: {  	s4 =	sld [smem:$0x3FFC];
	_ =	sdelay $0x3  }
0x95: {  	_ =	strace s4  }
0x96: {  	s4 =	sld [smem:$0x3FFD];
	_ =	sdelay $0x3  }
0x97: {  	_ =	strace s4  }
0x98: {  	_ =	strace $0x8FFFFFFF  }
0x99: {  	s19 =	sld [smem:$0x3FDB];
	_ =	sdelay $0x1  }
0x9a: {  	s5 =	simm.s32 $_scs_section_size  }
0x9b: {  	s6 =	simm.s32 $_size__tile_overlayer_lowered;
	s7 =	simm.s32 $_tile_overlayer_lowered  }
0x9c: {  	s22 =	simm.s32 $0x1BFF;
	s21 =	sshll.u32 s7, $0x1;
	s4 =	sadd.s32 s5, s19  }
0x9d: {  	s8 =	simm.s32 $0x0;
	s20 =	sshll.u32 s6, $0x1;
	s6 =	sadd.s32 s21, s4  }
0x9e: {  	[timem:s8], [sflag:s22] =	dma.local [hbm:s6], s20  }
0x9f: {  	_ =	swait.ge [sflag:s22], s20  }
0xa0: {  	s5 =	ssub.s32 $0x0, s20;
	[sflag:s22] =	ssyncset.done $0x0  }
0xa1: {  	[sflag:s22] =	ssyncadd.s32 s5;
	_ =	sdelay $0x1  }
0xa2: {  	s23 =	simm.s32 $0x1B8B  }
0xa3: {  	_ =	swait.ge [sflag:s23], $0x1  }
0xa4: {  	[sflag:s23] =	ssyncset.done $0x0  }
0xa5: {  	s25 =	simm.s32 $0x1B8E;
	s24 =	sld [smem:$0x3FFE];
	[sflag:s23] =	ssyncadd.s32 $0xFFFFFFFF  }
0xa6: {  	s26 =	simm.s32 $execute0_lowered;
	[smem:$0x3FD2] =	sst s25  }
0xa7: {  	s6 =	sshll.u32 s26, $0x1;
	_ =	strace $0x80000046;
	[dreg:$0x1] =	wrdreg $0xFFFFFFFF  }
0xa8: {  	s28 =	simm.s32 $_size_execute0_lowered;
	s4 =	sadd.s32 s4, s6;
	[dreg:$0x0] =	wrdreg $0x0  }
0xa9: {  	s6 =	sshll.u32 s28, $0x1;
	[dreg:$0x2] =	wrdreg s4  }
0xaa: {  	[dreg:$0x3] =	wrdreg s6  }
0xab: {  	[dreg:$0x4] =	wrdreg $0xC0  }
0xac: {  	_ =	task [dreg:s8], $0x5FFFF  }
0xad: {  	[dreg:$0x1] =	wrdreg $0xFFFFFFFF  }
0xae: {  	[dreg:$0x0] =	wrdreg $0x60  }
0xaf: {  	[dreg:$0x2] =	wrdreg s24  }
0xb0: {  	[dreg:$0x3] =	wrdreg s2  }
0xb1: {  	[dreg:$0x4] =	wrdreg s18  }
0xb2: {  	[dreg:$0x5] =	wrdreg $0x9  }
0xb3: {  	_ =	task.clear_ibuf [dreg:s8], $0x6FFFF;
	_ =	strace $0x90000046  }
0xb4: {  	s29 =	simm.s32 $0x9;
	_ =	strace $0x80000048  }
0xb5: {  	_ =	swait.ge [sflag:s29], $0x1  }
0xb6: {  	[sflag:s29] =	ssyncadd.s32 $0xFFFFFFFF  }
0xb7: {  	_ =	strace $0x90000048  }
0xb8: {  	_ =	sfence  }
0xb9: {  	s30 =	sld [smem:$0x0];
	_ =	sdelay $0x2  }
0xba: {  	s31 =	sshll.u32 s1, $0xD;
	s1 =	sshrl.u32 s1, $0x2  }
0xbb: {  	s3 =	sand.u32 $0x4000, s31;
	s1 =	sadd.s32 s1, s30  }
0xbc: {  	s0 =	sor.u32 s3, s0;
	s1 =	sshll.u32 s1, $0x11  }
0xbd: {  	s0 =	sor.u32 s1, s0  }
0xbe: {  	s0 =	sadd.s32 $0x8F2B, s0  }
0xbf: {  	[sflag:s0] =	ssyncadd.remote.s32 $0x1  }
0xc0: {  	_ =	sfence.sel $0xFFFF  }
0xc1: {  	[dreg:$0x0] =	wrdreg $0xFFFFFFFF;
	(pc) =	sbr.abs _section_cstart, $3  }
0xc2: {  	[dreg:$0x1] =	wrdreg $0xFFFFFFFF  }
0xc3: {  	_ =	task.clear_ibuf [dreg:s8], $0x2FFFF;
	_ =	strace $0x9FFFFFFF  }
0xc4: {  	(tm) =	ssettm $0x7FFFFFFF  }
0xc5: {  	_ =	shalt  }
tec
execute0_lowered:
.L_overlay_start_1:
0x0: {  	(tag) =	ssettag $0x1  }
0x1: {  	s0 =	rddreg [dreg:$0x0]  }
0x2: {  	s25 =	rddreg [dreg:$0x1];
	s1 =	srdreg.scid  }
0x3: {  	s20 =	stileid.u32;
	s21 =	rddreg [dreg:$0x2];
	s4 =	simm.s32 $0x0  }
0x4: {  	s29 =	simm.s32 $0x5800;
	s30 =	simm.s32 $0x6000;
	s28 =	simm.s32 $0x6800  }
0x5: {  	s31 =	simm.s32 $0x0;
	s1 =	sand.u32 $0x1, s1;
	s2 =	sshll.u32 s20, $0x1  }
0x6: {  	[smem:$0x7FF] =	sst s4;
	s6 =	sadd.s32 $0x200, s25;
	s7 =	sadd.s32 $0x400, s25  }
0x7: {  	s8 =	sadd.s32 $0x600, s25;
	s9 =	sadd.s32 $0x800, s25;
	s10 =	sadd.s32 $0xA00, s25  }
0x8: {  	s11 =	sadd.s32 $0xC00, s25;
	s12 =	sadd.s32 $0xE00, s25;
	s13 =	sadd.s32 $0x1000, s25  }
0x9: {  	s14 =	sadd.s32 $0x1200, s25;
	s15 =	sadd.s32 $0x1400, s25;
	s16 =	sadd.s32 $0x1600, s25  }
0xa: {  	s17 =	sadd.s32 $0x1800, s25;
	s18 =	sadd.s32 $0x1A00, s25;
	s23 =	sshll.u32 s20, $0x13  }
0xb: {  	s20 =	sadd.s32 $0x1E00, s25;
	s2 =	sor.u32 s1, s2;
	s5 =	ssub.s32 $0x2, s1  }
0xc: {  	_ =	strace $0x80000047;
	s1 =	sshll.u32 s1, $0x12;
	[dreg:$0x8] =	wrdreg s31  }
0xd: {  	s3 =	sshll.u32 s2, $0xA;
	s19 =	sshrl.u32 s5, $0x1;
	s22 =	sshll.u32 s2, $0x12  }
0xe: {  	s24 =	sor.u32 s1, s23;
	s2 =	simm.s32 $0x2800;
	s23 =	simm.s32 $0x4800  }
0xf: {  	s0 =	sadd.s32 s3, s0;
	s3 =	ssub.s32 s5, s19;
	s19 =	sadd.s32 $0x1C00, s25  }
0x10: {  	[dreg:$0x4] =	wrdreg s24;
	s5 =	simm.s32 $0x3800;
	s0 =	sadd.s32 $0x400, s0  }
0x11: {  	v0 =	vlaneseq.u32;
	s26 =	smax.u32 s3, $0x1;
	[dreg:$0x5] =	wrdreg s0;
	s0 =	sadd.s32 s22, s21  }
0x12: {  	v1 =	vshrl.u32 v0, $0x2;
	s24 =	simm.s32 $0x5000;
	[dreg:$0x7] =	wrdreg s26;
	s0 =	sadd.s32 $0x3E040, s0  }
0x13: {  	vm0 =	vmmov $0xffff;
	v0 =	vand.u32 $0x3, v0;
	v1 =	vmul.u32 $0x8, v1;
	s3 =	simm.s32 $0x3000;
	s21 =	simm.s32 $0x4000;
	[dreg:$0x6] =	wrdreg s0  }
.LBB2_1:
0x14: {  	s0 =	rddreg [dreg:$0x5];
	s31 =	simm.s32 $0x7  }
0x15: {  	[tilespmem:s4], [sflag:$0x7] =	stream.linear.gather [hbm4b:s0+s4], $0x2000, $0x38;
	[tilespmem:$0x1A000] =	vst v63  }
0x16: {  	_ =	swait.ge [sflag:s31], $0x2000  }
0x17: {  	[sflag:s31] =	ssyncset.done $0x0  }
0x18: {  	[sflag:s31] =	ssyncadd.s32 $0xFFFFE000  }
0x19: {  	v2 =	vld.msk [tilespmem:$0x0], $0xf;
	_ =	sdelay $0x4  }
0x1a: {  	v3 =	vshll.u32 v2, $0x6  }
0x1b: {  	v2 =	vand.u32 $0x7, v2;
	v3 =	vand.u32 $0xFFFFFE00, v3  }
0x1c: {  	v2 =	vor.u32 v2, v3  }
0x1d: {  	v2 =	vperm.xlane v2, v0;
	_ =	sdelay $0x1  }
0x1e: {  	v2 =	vadd.s32 v1, v2;
	_ =	sdelay $0x3  }
0x1f: {  	s1 =	simm.s32 $0x2000  }
0x20: {  	[tilespmem:s1], [sflag:$0x1] =	stream.indirect_vreg.gather [hbm4b:s25+s4], $0x80, v2, vm0, $0xb8;
	[tilespmem:$0x1A000] =	vst v63  }
0x21: {  	_ = 	snop  }
0x22: {  	[tilespmem:s2], [sflag:$0x1] =	stream.indirect_vreg.gather [hbm4b:s6+s4], $0x80, v2, vm0, $0xb8;
	[tilespmem:$0x1A000] =	vst v63  }
0x23: {  	_ = 	snop  }
0x24: {  	[tilespmem:s3], [sflag:$0x1] =	stream.indirect_vreg.gather [hbm4b:s7+s4], $0x80, v2, vm0, $0xb8;
	[tilespmem:$0x1A000] =	vst v63  }
0x25: {  	_ = 	snop  }
0x26: {  	[tilespmem:s5], [sflag:$0x1] =	stream.indirect_vreg.gather [hbm4b:s8+s4], $0x80, v2, vm0, $0xb8;
	[tilespmem:$0x1A000] =	vst v63  }
0x27: {  	_ = 	snop  }
0x28: {  	[tilespmem:s21], [sflag:$0x1] =	stream.indirect_vreg.gather [hbm4b:s9+s4], $0x80, v2, vm0, $0xb8;
	[tilespmem:$0x1A000] =	vst v63  }
0x29: {  	_ = 	snop  }
0x2a: {  	[tilespmem:s23], [sflag:$0x1] =	stream.indirect_vreg.gather [hbm4b:s10+s4], $0x80, v2, vm0, $0xb8;
	[tilespmem:$0x1A000] =	vst v63  }
0x2b: {  	_ = 	snop  }
0x2c: {  	[tilespmem:s24], [sflag:$0x1] =	stream.indirect_vreg.gather [hbm4b:s11+s4], $0x80, v2, vm0, $0xb8;
	[tilespmem:$0x1A000] =	vst v63  }
0x2d: {  	_ = 	snop  }
0x2e: {  	[tilespmem:s29], [sflag:$0x1] =	stream.indirect_vreg.gather [hbm4b:s12+s4], $0x80, v2, vm0, $0xb8;
	[tilespmem:$0x1A000] =	vst v63  }
0x2f: {  	_ = 	snop  }
0x30: {  	[tilespmem:s30], [sflag:$0x1] =	stream.indirect_vreg.gather [hbm4b:s13+s4], $0x80, v2, vm0, $0xb8;
	[tilespmem:$0x1A000] =	vst v63  }
0x31: {  	_ = 	snop  }
0x32: {  	[tilespmem:s28], [sflag:$0x1] =	stream.indirect_vreg.gather [hbm4b:s14+s4], $0x80, v2, vm0, $0xb8;
	[tilespmem:$0x1A000] =	vst v63  }
0x33: {  	s3 =	simm.s32 $0x7000  }
0x34: {  	[tilespmem:s3], [sflag:$0x1] =	stream.indirect_vreg.gather [hbm4b:s15+s4], $0x80, v2, vm0, $0xb8;
	[tilespmem:$0x1A000] =	vst v63  }
0x35: {  	s5 =	simm.s32 $0x7800  }
0x36: {  	[tilespmem:s5], [sflag:$0x1] =	stream.indirect_vreg.gather [hbm4b:s16+s4], $0x80, v2, vm0, $0xb8;
	[tilespmem:$0x1A000] =	vst v63  }
0x37: {  	s21 =	simm.s32 $0x8000  }
0x38: {  	[tilespmem:s21], [sflag:$0x1] =	stream.indirect_vreg.gather [hbm4b:s17+s4], $0x80, v2, vm0, $0xb8;
	[tilespmem:$0x1A000] =	vst v63  }
0x39: {  	s22 =	simm.s32 $0x8800  }
0x3a: {  	[tilespmem:s22], [sflag:$0x1] =	stream.indirect_vreg.gather [hbm4b:s18+s4], $0x80, v2, vm0, $0xb8;
	[tilespmem:$0x1A000] =	vst v63  }
0x3b: {  	s23 =	simm.s32 $0x9000  }
0x3c: {  	[tilespmem:s23], [sflag:$0x1] =	stream.indirect_vreg.gather [hbm4b:s19+s4], $0x80, v2, vm0, $0xb8;
	[tilespmem:$0x1A000] =	vst v63  }
0x3d: {  	s24 =	simm.s32 $0x9800  }
0x3e: {  	[tilespmem:s24], [sflag:$0x1] =	stream.indirect_vreg.gather [hbm4b:s20+s4], $0x80, v2, vm0, $0xb8;
	[tilespmem:$0x1A000] =	vst v63  }
0x3f: {  	v2 =	vld.msk [tilespmem:$0x80], $0xf;
	_ =	sdelay $0x4  }
0x40: {  	v3 =	vshll.u32 v2, $0x6  }
0x41: {  	v2 =	vand.u32 $0x7, v2;
	v3 =	vand.u32 $0xFFFFFE00, v3  }
0x42: {  	v2 =	vor.u32 v2, v3  }
0x43: {  	v2 =	vperm.xlane v2, v0;
	_ =	sdelay $0x1  }
0x44: {  	v2 =	vadd.s32 v1, v2;
	_ =	sdelay $0x3  }
0x45: {  	s26 =	simm.s32 $0xA000  }
0x46: {  	[tilespmem:s26], [sflag:$0x2] =	stream.indirect_vreg.gather [hbm4b:s25+s4], $0x80, v2, vm0, $0xb8;
	[tilespmem:$0x1A000] =	vst v63  }
0x47: {  	s28 =	simm.s32 $0xA800  }
0x48: {  	[tilespmem:s28], [sflag:$0x2] =	stream.indirect_vreg.gather [hbm4b:s6+s4], $0x80, v2, vm0, $0xb8;
	[tilespmem:$0x1A000] =	vst v63  }
0x49: {  	s30 =	simm.s32 $0xB000  }
0x4a: {  	[tilespmem:s30], [sflag:$0x2] =	stream.indirect_vreg.gather [hbm4b:s7+s4], $0x80, v2, vm0, $0xb8;
	[tilespmem:$0x1A000] =	vst v63  }
0x4b: {  	s31 =	simm.s32 $0xB800  }
0x4c: {  	[tilespmem:s31], [sflag:$0x2] =	stream.indirect_vreg.gather [hbm4b:s8+s4], $0x80, v2, vm0, $0xb8;
	[tilespmem:$0x1A000] =	vst v63  }
0x4d: {  	s1 =	simm.s32 $0xC000  }
0x4e: {  	[tilespmem:s1], [sflag:$0x2] =	stream.indirect_vreg.gather [hbm4b:s9+s4], $0x80, v2, vm0, $0xb8;
	[tilespmem:$0x1A000] =	vst v63  }
0x4f: {  	s2 =	simm.s32 $0xC800  }
0x50: {  	[tilespmem:s2], [sflag:$0x2] =	stream.indirect_vreg.gather [hbm4b:s10+s4], $0x80, v2, vm0, $0xb8;
	[tilespmem:$0x1A000] =	vst v63  }
0x51: {  	s3 =	simm.s32 $0xD000  }
0x52: {  	[tilespmem:s3], [sflag:$0x2] =	stream.indirect_vreg.gather [hbm4b:s11+s4], $0x80, v2, vm0, $0xb8;
	[tilespmem:$0x1A000] =	vst v63  }
0x53: {  	s5 =	simm.s32 $0xD800  }
0x54: {  	[tilespmem:s5], [sflag:$0x2] =	stream.indirect_vreg.gather [hbm4b:s12+s4], $0x80, v2, vm0, $0xb8;
	[tilespmem:$0x1A000] =	vst v63  }
0x55: {  	s21 =	simm.s32 $0xE000  }
0x56: {  	[tilespmem:s21], [sflag:$0x2] =	stream.indirect_vreg.gather [hbm4b:s13+s4], $0x80, v2, vm0, $0xb8;
	[tilespmem:$0x1A000] =	vst v63  }
0x57: {  	s22 =	simm.s32 $0xE800  }
0x58: {  	[tilespmem:s22], [sflag:$0x2] =	stream.indirect_vreg.gather [hbm4b:s14+s4], $0x80, v2, vm0, $0xb8;
	[tilespmem:$0x1A000] =	vst v63  }
0x59: {  	s23 =	simm.s32 $0xF000  }
0x5a: {  	[tilespmem:s23], [sflag:$0x2] =	stream.indirect_vreg.gather [hbm4b:s15+s4], $0x80, v2, vm0, $0xb8;
	[tilespmem:$0x1A000] =	vst v63  }
0x5b: {  	s24 =	simm.s32 $0xF800  }
0x5c: {  	[tilespmem:s24], [sflag:$0x2] =	stream.indirect_vreg.gather [hbm4b:s16+s4], $0x80, v2, vm0, $0xb8;
	[tilespmem:$0x1A000] =	vst v63  }
0x5d: {  	s26 =	simm.s32 $0x10000  }
0x5e: {  	[tilespmem:s26], [sflag:$0x2] =	stream.indirect_vreg.gather [hbm4b:s17+s4], $0x80, v2, vm0, $0xb8;
	[tilespmem:$0x1A000] =	vst v63  }
0x5f: {  	s29 =	simm.s32 $0x280;
	s28 =	simm.s32 $0x10800;
	s30 =	simm.s32 $0x11000  }
0x60: {  	[tilespmem:s28], [sflag:$0x2] =	stream.indirect_vreg.gather [hbm4b:s18+s4], $0x80, v2, vm0, $0xb8;
	[tilespmem:$0x1A000] =	vst v63  }
0x61: {  	s31 =	simm.s32 $0x11800;
	s2 =	simm.s32 $0x12000;
	s3 =	simm.s32 $0x40  }
0x62: {  	[tilespmem:s30], [sflag:$0x2] =	stream.indirect_vreg.gather [hbm4b:s19+s4], $0x80, v2, vm0, $0xb8;
	[tilespmem:$0x1A000] =	vst v63  }
0x63: {  	s21 =	simm.s32 $0x1C0;
	s22 =	simm.s32 $0xFFFFFFFD;
	s24 =	simm.s32 $0x0  }
0x64: {  	[tilespmem:s31], [sflag:$0x2] =	stream.indirect_vreg.gather [hbm4b:s20+s4], $0x80, v2, vm0, $0xb8;
	[tilespmem:$0x1A000] =	vst v63  }
.LBB2_2:
0x65: {  	p0 =	seq.s32 s24, $0x0  }
0x66: {  	[dreg:$0x9] =	wrdreg s22;
	s0 =	simm.s32 @!p0 $0x6  }
0x67: {  	_ =	swait.ge @!p0 [sflag:s0], $0x8000  }
0x68: {  	[sflag:s0] =	ssyncset.done @!p0 $0x0  }
0x69: {  	[sflag:s0] =	ssyncadd.s32 @!p0 $0xFFFF8000  }
0x6a: {  	v2 =	vld.msk [tilespmem:s29+$0xFFFFFE80], $0xf;
	_ =	sdelay $0x4  }
0x6b: {  	v3 =	vshll.u32 v2, $0x6  }
0x6c: {  	v2 =	vand.u32 $0x7, v2;
	v3 =	vand.u32 $0xFFFFFE00, v3  }
0x6d: {  	v2 =	vor.u32 v2, v3  }
0x6e: {  	v2 =	vperm.xlane v2, v0;
	_ =	sdelay $0x1  }
0x6f: {  	v2 =	vadd.s32 v1, v2;
	_ =	sdelay $0x4  }
0x70: {  	[tilespmem:s2], [sflag:$0x3] =	stream.indirect_vreg.gather [hbm4b:s25+s4], $0x80, v2, vm0, $0xb8;
	[tilespmem:$0x1A000] =	vst v63  }
0x71: {  	s31 =	simm.s32 $0x12800  }
0x72: {  	[tilespmem:s31], [sflag:$0x3] =	stream.indirect_vreg.gather [hbm4b:s6+s4], $0x80, v2, vm0, $0xb8;
	[tilespmem:$0x1A000] =	vst v63  }
0x73: {  	s1 =	simm.s32 $0x13000  }
0x74: {  	[tilespmem:s1], [sflag:$0x3] =	stream.indirect_vreg.gather [hbm4b:s7+s4], $0x80, v2, vm0, $0xb8;
	[tilespmem:$0x1A000] =	vst v63  }
0x75: {  	s2 =	simm.s32 $0x13800  }
0x76: {  	[tilespmem:s2], [sflag:$0x3] =	stream.indirect_vreg.gather [hbm4b:s8+s4], $0x80, v2, vm0, $0xb8;
	[tilespmem:$0x1A000] =	vst v63  }
0x77: {  	s5 =	simm.s32 $0x14000  }
0x78: {  	[tilespmem:s5], [sflag:$0x3] =	stream.indirect_vreg.gather [hbm4b:s9+s4], $0x80, v2, vm0, $0xb8;
	[tilespmem:$0x1A000] =	vst v63  }
0x79: {  	s22 =	simm.s32 $0x14800  }
0x7a: {  	[tilespmem:s22], [sflag:$0x3] =	stream.indirect_vreg.gather [hbm4b:s10+s4], $0x80, v2, vm0, $0xb8;
	[tilespmem:$0x1A000] =	vst v63  }
0x7b: {  	s23 =	simm.s32 $0x15000  }
0x7c: {  	[tilespmem:s23], [sflag:$0x3] =	stream.indirect_vreg.gather [hbm4b:s11+s4], $0x80, v2, vm0, $0xb8;
	[tilespmem:$0x1A000] =	vst v63  }
0x7d: {  	s26 =	simm.s32 $0x15800  }
0x7e: {  	[tilespmem:s26], [sflag:$0x3] =	stream.indirect_vreg.gather [hbm4b:s12+s4], $0x80, v2, vm0, $0xb8;
	[tilespmem:$0x1A000] =	vst v63  }
0x7f: {  	s30 =	simm.s32 $0x16000  }
0x80: {  	[tilespmem:s30], [sflag:$0x3] =	stream.indirect_vreg.gather [hbm4b:s13+s4], $0x80, v2, vm0, $0xb8;
	[tilespmem:$0x1A000] =	vst v63  }
0x81: {  	s31 =	simm.s32 $0x16800  }
0x82: {  	[tilespmem:s31], [sflag:$0x3] =	stream.indirect_vreg.gather [hbm4b:s14+s4], $0x80, v2, vm0, $0xb8;
	[tilespmem:$0x1A000] =	vst v63  }
0x83: {  	s1 =	simm.s32 $0x17000  }
0x84: {  	[tilespmem:s1], [sflag:$0x3] =	stream.indirect_vreg.gather [hbm4b:s15+s4], $0x80, v2, vm0, $0xb8;
	[tilespmem:$0x1A000] =	vst v63  }
0x85: {  	s2 =	simm.s32 $0x17800  }
0x86: {  	[tilespmem:s2], [sflag:$0x3] =	stream.indirect_vreg.gather [hbm4b:s16+s4], $0x80, v2, vm0, $0xb8;
	[tilespmem:$0x1A000] =	vst v63  }
0x87: {  	s5 =	simm.s32 $0x18000  }
0x88: {  	[tilespmem:s5], [sflag:$0x3] =	stream.indirect_vreg.gather [hbm4b:s17+s4], $0x80, v2, vm0, $0xb8;
	[tilespmem:$0x1A000] =	vst v63  }
0x89: {  	s22 =	simm.s32 $0x18800  }
0x8a: {  	[tilespmem:s22], [sflag:$0x3] =	stream.indirect_vreg.gather [hbm4b:s18+s4], $0x80, v2, vm0, $0xb8;
	[tilespmem:$0x1A000] =	vst v63  }
0x8b: {  	s23 =	simm.s32 $0x19000  }
0x8c: {  	[tilespmem:s23], [sflag:$0x3] =	stream.indirect_vreg.gather [hbm4b:s19+s4], $0x80, v2, vm0, $0xb8;
	[tilespmem:$0x1A000] =	vst v63  }
0x8d: {  	s26 =	simm.s32 $0x19800;
	s31 =	sadd.s32 $0xFFFFFFC0, s3;
	s1 =	simm.s32 $0x1  }
0x8e: {  	[tilespmem:s26], [sflag:$0x3] =	stream.indirect_vreg.gather [hbm4b:s20+s4], $0x80, v2, vm0, $0xb8;
	[tilespmem:$0x1A000] =	vst v63  }
0x8f: {  	s2 =	sand.u32 $0x40, s31;
	s31 =	simm.s32 $0x400;
	_ =	swait.ge [sflag:s1], $0x8000  }
0x90: {  	s23 =	simm.s32 $0x200;
	s30 =	rddreg [dreg:$0x4];
	[sflag:s1] =	ssyncset.done $0x0  }
0x91: {  	s30 =	sadd.s32 s24, s30;
	s22 =	rddreg [dreg:$0x2];
	[sflag:s1] =	ssyncadd.s32 $0xFFFF8000  }
0x92: {  	s1 =	simm.s32 $0x4;
	s5 =	sand.u32 $0xFFFE000, s30;
	s26 =	sadd.s32 s22, s2  }
0x93: {  	s2 =	sadd.s32 s5, s26;
	[dreg:$0xa] =	wrdreg s26;
	s5 =	simm.s32 $0x2000  }
0x94: {  	[hbm4b:s2+s23] =	stream.strided.scatter [tilespmem:s5], [sflag:$0x4], $0x8000, s31, s23, $0x38;
	[tilespmem:$0x1A000] =	vst v63  }
0x95: {  	_ =	swait.ge [sflag:s1], $0x8000  }
0x96: {  	[sflag:s1] =	ssyncset.done $0x0  }
0x97: {  	[sflag:s1] =	ssyncadd.s32 $0xFFFF8000  }
0x98: {  	v2 =	vld.msk [tilespmem:s29+$0xFFFFFF00], $0xf;
	_ =	sdelay $0x4  }
0x99: {  	v3 =	vshll.u32 v2, $0x6  }
0x9a: {  	v2 =	vand.u32 $0x7, v2;
	v3 =	vand.u32 $0xFFFFFE00, v3  }
0x9b: {  	v2 =	vor.u32 v2, v3  }
0x9c: {  	v2 =	vperm.xlane v2, v0;
	_ =	sdelay $0x1  }
0x9d: {  	v2 =	vadd.s32 v1, v2;
	_ =	sdelay $0x4  }
0x9e: {  	[tilespmem:s5], [sflag:$0x1] =	stream.indirect_vreg.gather [hbm4b:s25+s4], $0x80, v2, vm0, $0xb8;
	[tilespmem:$0x1A000] =	vst v63  }
0x9f: {  	s5 =	simm.s32 $0x2800  }
0xa0: {  	[tilespmem:s5], [sflag:$0x1] =	stream.indirect_vreg.gather [hbm4b:s6+s4], $0x80, v2, vm0, $0xb8;
	[tilespmem:$0x1A000] =	vst v63  }
0xa1: {  	s23 =	simm.s32 $0x3000  }
0xa2: {  	[tilespmem:s23], [sflag:$0x1] =	stream.indirect_vreg.gather [hbm4b:s7+s4], $0x80, v2, vm0, $0xb8;
	[tilespmem:$0x1A000] =	vst v63  }
0xa3: {  	s31 =	simm.s32 $0x3800  }
0xa4: {  	[tilespmem:s31], [sflag:$0x1] =	stream.indirect_vreg.gather [hbm4b:s8+s4], $0x80, v2, vm0, $0xb8;
	[tilespmem:$0x1A000] =	vst v63  }
0xa5: {  	s5 =	simm.s32 $0x4000  }
0xa6: {  	[tilespmem:s5], [sflag:$0x1] =	stream.indirect_vreg.gather [hbm4b:s9+s4], $0x80, v2, vm0, $0xb8;
	[tilespmem:$0x1A000] =	vst v63  }
0xa7: {  	s23 =	simm.s32 $0x4800  }
0xa8: {  	[tilespmem:s23], [sflag:$0x1] =	stream.indirect_vreg.gather [hbm4b:s10+s4], $0x80, v2, vm0, $0xb8;
	[tilespmem:$0x1A000] =	vst v63  }
0xa9: {  	s31 =	simm.s32 $0x5000  }
0xaa: {  	[tilespmem:s31], [sflag:$0x1] =	stream.indirect_vreg.gather [hbm4b:s11+s4], $0x80, v2, vm0, $0xb8;
	[tilespmem:$0x1A000] =	vst v63  }
0xab: {  	s5 =	simm.s32 $0x5800  }
0xac: {  	[tilespmem:s5], [sflag:$0x1] =	stream.indirect_vreg.gather [hbm4b:s12+s4], $0x80, v2, vm0, $0xb8;
	[tilespmem:$0x1A000] =	vst v63  }
0xad: {  	s23 =	simm.s32 $0x6000  }
0xae: {  	[tilespmem:s23], [sflag:$0x1] =	stream.indirect_vreg.gather [hbm4b:s13+s4], $0x80, v2, vm0, $0xb8;
	[tilespmem:$0x1A000] =	vst v63  }
0xaf: {  	s31 =	simm.s32 $0x6800  }
0xb0: {  	[tilespmem:s31], [sflag:$0x1] =	stream.indirect_vreg.gather [hbm4b:s14+s4], $0x80, v2, vm0, $0xb8;
	[tilespmem:$0x1A000] =	vst v63  }
0xb1: {  	s5 =	simm.s32 $0x7000  }
0xb2: {  	[tilespmem:s5], [sflag:$0x1] =	stream.indirect_vreg.gather [hbm4b:s15+s4], $0x80, v2, vm0, $0xb8;
	[tilespmem:$0x1A000] =	vst v63  }
0xb3: {  	s23 =	simm.s32 $0x7800  }
0xb4: {  	[tilespmem:s23], [sflag:$0x1] =	stream.indirect_vreg.gather [hbm4b:s16+s4], $0x80, v2, vm0, $0xb8;
	[tilespmem:$0x1A000] =	vst v63  }
0xb5: {  	s31 =	simm.s32 $0x8000  }
0xb6: {  	[tilespmem:s31], [sflag:$0x1] =	stream.indirect_vreg.gather [hbm4b:s17+s4], $0x80, v2, vm0, $0xb8;
	[tilespmem:$0x1A000] =	vst v63  }
0xb7: {  	s5 =	simm.s32 $0x8800  }
0xb8: {  	[tilespmem:s5], [sflag:$0x1] =	stream.indirect_vreg.gather [hbm4b:s18+s4], $0x80, v2, vm0, $0xb8;
	[tilespmem:$0x1A000] =	vst v63  }
0xb9: {  	s23 =	simm.s32 $0x9000  }
0xba: {  	[tilespmem:s23], [sflag:$0x1] =	stream.indirect_vreg.gather [hbm4b:s19+s4], $0x80, v2, vm0, $0xb8;
	[tilespmem:$0x1A000] =	vst v63  }
0xbb: {  	s28 =	simm.s32 $0x400;
	s31 =	simm.s32 $0x9800;
	s5 =	sadd.s32 $0xFFFFFE80, s21  }
0xbc: {  	[tilespmem:s31], [sflag:$0x1] =	stream.indirect_vreg.gather [hbm4b:s20+s4], $0x80, v2, vm0, $0xb8;
	[tilespmem:$0x1A000] =	vst v63  }
0xbd: {  	s2 =	sand.u32 $0x40, s5;
	s23 =	sadd.s32 $0x1000, s30;
	s31 =	simm.s32 $0x2  }
0xbe: {  	s2 =	sadd.s32 s22, s2;
	s23 =	sand.u32 $0xFFFE000, s23;
	_ =	swait.ge [sflag:s31], $0x8000  }
0xbf: {  	s0 =	simm.s32 $0x200;
	s2 =	sadd.s32 s23, s2;
	[sflag:s31] =	ssyncset.done $0x0  }
0xc0: {  	s23 =	simm.s32 $0x5;
	[sflag:s31] =	ssyncadd.s32 $0xFFFF8000;
	s31 =	simm.s32 $0xA000  }
0xc1: {  	[hbm4b:s2+s0] =	stream.strided.scatter [tilespmem:s31], [sflag:$0x5], $0x8000, s28, s0, $0x38;
	[tilespmem:$0x1A000] =	vst v63  }
0xc2: {  	_ =	swait.ge [sflag:s23], $0x8000  }
0xc3: {  	[sflag:s23] =	ssyncset.done $0x0  }
0xc4: {  	[sflag:s23] =	ssyncadd.s32 $0xFFFF8000  }
0xc5: {  	v2 =	vld.msk [tilespmem:s29+$0xFFFFFF80], $0xf;
	_ =	sdelay $0x4  }
0xc6: {  	v3 =	vshll.u32 v2, $0x6  }
0xc7: {  	v2 =	vand.u32 $0x7, v2;
	v3 =	vand.u32 $0xFFFFFE00, v3  }
0xc8: {  	v2 =	vor.u32 v2, v3  }
0xc9: {  	v2 =	vperm.xlane v2, v0;
	_ =	sdelay $0x1  }
0xca: {  	v2 =	vadd.s32 v1, v2;
	_ =	sdelay $0x4  }
0xcb: {  	[tilespmem:s31], [sflag:$0x2] =	stream.indirect_vreg.gather [hbm4b:s25+s4], $0x80, v2, vm0, $0xb8;
	[tilespmem:$0x1A000] =	vst v63  }
0xcc: {  	s31 =	simm.s32 $0xA800  }
0xcd: {  	[tilespmem:s31], [sflag:$0x2] =	stream.indirect_vreg.gather [hbm4b:s6+s4], $0x80, v2, vm0, $0xb8;
	[tilespmem:$0x1A000] =	vst v63  }
0xce: {  	s5 =	simm.s32 $0xB000  }
0xcf: {  	[tilespmem:s5], [sflag:$0x2] =	stream.indirect_vreg.gather [hbm4b:s7+s4], $0x80, v2, vm0, $0xb8;
	[tilespmem:$0x1A000] =	vst v63  }
0xd0: {  	s23 =	simm.s32 $0xB800  }
0xd1: {  	[tilespmem:s23], [sflag:$0x2] =	stream.indirect_vreg.gather [hbm4b:s8+s4], $0x80, v2, vm0, $0xb8;
	[tilespmem:$0x1A000] =	vst v63  }
0xd2: {  	s31 =	simm.s32 $0xC000  }
0xd3: {  	[tilespmem:s31], [sflag:$0x2] =	stream.indirect_vreg.gather [hbm4b:s9+s4], $0x80, v2, vm0, $0xb8;
	[tilespmem:$0x1A000] =	vst v63  }
0xd4: {  	s5 =	simm.s32 $0xC800  }
0xd5: {  	[tilespmem:s5], [sflag:$0x2] =	stream.indirect_vreg.gather [hbm4b:s10+s4], $0x80, v2, vm0, $0xb8;
	[tilespmem:$0x1A000] =	vst v63  }
0xd6: {  	s23 =	simm.s32 $0xD000  }
0xd7: {  	[tilespmem:s23], [sflag:$0x2] =	stream.indirect_vreg.gather [hbm4b:s11+s4], $0x80, v2, vm0, $0xb8;
	[tilespmem:$0x1A000] =	vst v63  }
0xd8: {  	s31 =	simm.s32 $0xD800  }
0xd9: {  	[tilespmem:s31], [sflag:$0x2] =	stream.indirect_vreg.gather [hbm4b:s12+s4], $0x80, v2, vm0, $0xb8;
	[tilespmem:$0x1A000] =	vst v63  }
0xda: {  	s5 =	simm.s32 $0xE000  }
0xdb: {  	[tilespmem:s5], [sflag:$0x2] =	stream.indirect_vreg.gather [hbm4b:s13+s4], $0x80, v2, vm0, $0xb8;
	[tilespmem:$0x1A000] =	vst v63  }
0xdc: {  	s23 =	simm.s32 $0xE800  }
0xdd: {  	[tilespmem:s23], [sflag:$0x2] =	stream.indirect_vreg.gather [hbm4b:s14+s4], $0x80, v2, vm0, $0xb8;
	[tilespmem:$0x1A000] =	vst v63  }
0xde: {  	s31 =	simm.s32 $0xF000  }
0xdf: {  	[tilespmem:s31], [sflag:$0x2] =	stream.indirect_vreg.gather [hbm4b:s15+s4], $0x80, v2, vm0, $0xb8;
	[tilespmem:$0x1A000] =	vst v63  }
0xe0: {  	s5 =	simm.s32 $0xF800  }
0xe1: {  	[tilespmem:s5], [sflag:$0x2] =	stream.indirect_vreg.gather [hbm4b:s16+s4], $0x80, v2, vm0, $0xb8;
	[tilespmem:$0x1A000] =	vst v63  }
0xe2: {  	s23 =	simm.s32 $0x10000  }
0xe3: {  	[tilespmem:s23], [sflag:$0x2] =	stream.indirect_vreg.gather [hbm4b:s17+s4], $0x80, v2, vm0, $0xb8;
	[tilespmem:$0x1A000] =	vst v63  }
0xe4: {  	s31 =	simm.s32 $0x10800  }
0xe5: {  	[tilespmem:s31], [sflag:$0x2] =	stream.indirect_vreg.gather [hbm4b:s18+s4], $0x80, v2, vm0, $0xb8;
	[tilespmem:$0x1A000] =	vst v63  }
0xe6: {  	s5 =	simm.s32 $0x11000  }
0xe7: {  	[tilespmem:s5], [sflag:$0x2] =	stream.indirect_vreg.gather [hbm4b:s19+s4], $0x80, v2, vm0, $0xb8;
	[tilespmem:$0x1A000] =	vst v63  }
0xe8: {  	s23 =	simm.s32 $0x11800;
	s31 =	simm.s32 $0x3  }
0xe9: {  	[tilespmem:s23], [sflag:$0x2] =	stream.indirect_vreg.gather [hbm4b:s20+s4], $0x80, v2, vm0, $0xb8;
	[tilespmem:$0x1A000] =	vst v63  }
0xea: {  	s28 =	simm.s32 $0x400;
	s5 =	sadd.s32 $0x2000, s30;
	_ =	swait.ge [sflag:s31], $0x8000  }
0xeb: {  	s0 =	simm.s32 $0x200;
	s2 =	sand.u32 $0xFFE000, s5;
	[sflag:s31] =	ssyncset.done $0x0  }
0xec: {  	s2 =	sadd.s32 s2, s26;
	s26 =	simm.s32 $0x12000;
	[sflag:s31] =	ssyncadd.s32 $0xFFFF8000  }
0xed: {  	[hbm4b:s2+s0] =	stream.strided.scatter [tilespmem:s26], [sflag:$0x6], $0x8000, s28, s0, $0x38;
	[tilespmem:$0x1A000] =	vst v63  }
0xee: {  	s0 =	simm.s32 $0x6  }
0xef: {  	_ =	swait.ge [sflag:s0], $0x8000  }
0xf0: {  	[sflag:s0] =	ssyncset.done $0x0  }
0xf1: {  	[sflag:s0] =	ssyncadd.s32 $0xFFFF8000  }
0xf2: {  	v2 =	vld.msk [tilespmem:s29+$0x0], $0xf;
	_ =	sdelay $0x4  }
0xf3: {  	v3 =	vshll.u32 v2, $0x6  }
0xf4: {  	v2 =	vand.u32 $0x7, v2;
	v3 =	vand.u32 $0xFFFFFE00, v3  }
0xf5: {  	v2 =	vor.u32 v2, v3  }
0xf6: {  	v2 =	vperm.xlane v2, v0;
	_ =	sdelay $0x1  }
0xf7: {  	v2 =	vadd.s32 v1, v2;
	_ =	sdelay $0x3  }
0xf8: {  	s31 =	simm.s32 $0x12000  }
0xf9: {  	[tilespmem:s31], [sflag:$0x3] =	stream.indirect_vreg.gather [hbm4b:s25+s4], $0x80, v2, vm0, $0xb8;
	[tilespmem:$0x1A000] =	vst v63  }
0xfa: {  	s23 =	simm.s32 $0x12800  }
0xfb: {  	[tilespmem:s23], [sflag:$0x3] =	stream.indirect_vreg.gather [hbm4b:s6+s4], $0x80, v2, vm0, $0xb8;
	[tilespmem:$0x1A000] =	vst v63  }
0xfc: {  	s31 =	simm.s32 $0x13000  }
0xfd: {  	[tilespmem:s31], [sflag:$0x3] =	stream.indirect_vreg.gather [hbm4b:s7+s4], $0x80, v2, vm0, $0xb8;
	[tilespmem:$0x1A000] =	vst v63  }
0xfe: {  	s23 =	simm.s32 $0x13800  }
0xff: {  	[tilespmem:s23], [sflag:$0x3] =	stream.indirect_vreg.gather [hbm4b:s8+s4], $0x80, v2, vm0, $0xb8;
	[tilespmem:$0x1A000] =	vst v63  }
0x100: {  	s31 =	simm.s32 $0x14000  }
0x101: {  	[tilespmem:s31], [sflag:$0x3] =	stream.indirect_vreg.gather [hbm4b:s9+s4], $0x80, v2, vm0, $0xb8;
	[tilespmem:$0x1A000] =	vst v63  }
0x102: {  	s23 =	simm.s32 $0x14800  }
0x103: {  	[tilespmem:s23], [sflag:$0x3] =	stream.indirect_vreg.gather [hbm4b:s10+s4], $0x80, v2, vm0, $0xb8;
	[tilespmem:$0x1A000] =	vst v63  }
0x104: {  	s31 =	simm.s32 $0x15000  }
0x105: {  	[tilespmem:s31], [sflag:$0x3] =	stream.indirect_vreg.gather [hbm4b:s11+s4], $0x80, v2, vm0, $0xb8;
	[tilespmem:$0x1A000] =	vst v63  }
0x106: {  	s23 =	simm.s32 $0x15800  }
0x107: {  	[tilespmem:s23], [sflag:$0x3] =	stream.indirect_vreg.gather [hbm4b:s12+s4], $0x80, v2, vm0, $0xb8;
	[tilespmem:$0x1A000] =	vst v63  }
0x108: {  	s31 =	simm.s32 $0x16000  }
0x109: {  	[tilespmem:s31], [sflag:$0x3] =	stream.indirect_vreg.gather [hbm4b:s13+s4], $0x80, v2, vm0, $0xb8;
	[tilespmem:$0x1A000] =	vst v63  }
0x10a: {  	s23 =	simm.s32 $0x16800  }
0x10b: {  	[tilespmem:s23], [sflag:$0x3] =	stream.indirect_vreg.gather [hbm4b:s14+s4], $0x80, v2, vm0, $0xb8;
	[tilespmem:$0x1A000] =	vst v63  }
0x10c: {  	s31 =	simm.s32 $0x17000  }
0x10d: {  	[tilespmem:s31], [sflag:$0x3] =	stream.indirect_vreg.gather [hbm4b:s15+s4], $0x80, v2, vm0, $0xb8;
	[tilespmem:$0x1A000] =	vst v63  }
0x10e: {  	s23 =	simm.s32 $0x17800  }
0x10f: {  	[tilespmem:s23], [sflag:$0x3] =	stream.indirect_vreg.gather [hbm4b:s16+s4], $0x80, v2, vm0, $0xb8;
	[tilespmem:$0x1A000] =	vst v63  }
0x110: {  	s31 =	simm.s32 $0x18000  }
0x111: {  	[tilespmem:s31], [sflag:$0x3] =	stream.indirect_vreg.gather [hbm4b:s17+s4], $0x80, v2, vm0, $0xb8;
	[tilespmem:$0x1A000] =	vst v63  }
0x112: {  	s23 =	simm.s32 $0x18800  }
0x113: {  	[tilespmem:s23], [sflag:$0x3] =	stream.indirect_vreg.gather [hbm4b:s18+s4], $0x80, v2, vm0, $0xb8;
	[tilespmem:$0x1A000] =	vst v63  }
0x114: {  	s5 =	simm.s32 $0x200;
	s26 =	simm.s32 $0x400;
	s31 =	simm.s32 $0x19000  }
0x115: {  	[tilespmem:s31], [sflag:$0x3] =	stream.indirect_vreg.gather [hbm4b:s19+s4], $0x80, v2, vm0, $0xb8;
	[tilespmem:$0x1A000] =	vst v63  }
0x116: {  	s2 =	sadd.s32 $0x3000, s30;
	s23 =	simm.s32 $0x19800;
	s31 =	simm.s32 $0x1  }
0x117: {  	[tilespmem:s23], [sflag:$0x3] =	stream.indirect_vreg.gather [hbm4b:s20+s4], $0x80, v2, vm0, $0xb8;
	[tilespmem:$0x1A000] =	vst v63  }
0x118: {  	s28 =	smov.u32 s25;
	s23 =	sand.u32 $0x40, s3;
	_ =	swait.ge [sflag:s31], $0x8000  }
0x119: {  	s25 =	sand.u32 $0xFFFE000, s2;
	s2 =	sadd.s32 s22, s23;
	[sflag:s31] =	ssyncset.done $0x0  }
0x11a: {  	s23 =	sadd.s32 s25, s2;
	[sflag:s31] =	ssyncadd.s32 $0xFFFF8000;
	s31 =	simm.s32 $0x2000  }
0x11b: {  	[hbm4b:s23+s5] =	stream.strided.scatter [tilespmem:s31], [sflag:$0x4], $0x8000, s26, s5, $0x38;
	[tilespmem:$0x1A000] =	vst v63  }
0x11c: {  	_ =	swait.ge [sflag:s1], $0x8000  }
0x11d: {  	[sflag:s1] =	ssyncset.done $0x0  }
0x11e: {  	[sflag:s1] =	ssyncadd.s32 $0xFFFF8000  }
0x11f: {  	v2 =	vld.msk [tilespmem:s29+$0x80], $0xf;
	_ =	sdelay $0x4  }
0x120: {  	v3 =	vshll.u32 v2, $0x6  }
0x121: {  	v2 =	vand.u32 $0x7, v2;
	v3 =	vand.u32 $0xFFFFFE00, v3  }
0x122: {  	v2 =	vor.u32 v2, v3  }
0x123: {  	v2 =	vperm.xlane v2, v0;
	_ =	sdelay $0x1  }
0x124: {  	v2 =	vadd.s32 v1, v2;
	_ =	sdelay $0x4  }
0x125: {  	[tilespmem:s31], [sflag:$0x1] =	stream.indirect_vreg.gather [hbm4b:s28+s4], $0x80, v2, vm0, $0xb8;
	[tilespmem:$0x1A000] =	vst v63  }
0x126: {  	s25 =	simm.s32 $0x2800  }
0x127: {  	[tilespmem:s25], [sflag:$0x1] =	stream.indirect_vreg.gather [hbm4b:s6+s4], $0x80, v2, vm0, $0xb8;
	[tilespmem:$0x1A000] =	vst v63  }
0x128: {  	s26 =	simm.s32 $0x3000  }
0x129: {  	[tilespmem:s26], [sflag:$0x1] =	stream.indirect_vreg.gather [hbm4b:s7+s4], $0x80, v2, vm0, $0xb8;
	[tilespmem:$0x1A000] =	vst v63  }
0x12a: {  	s31 =	simm.s32 $0x3800  }
0x12b: {  	[tilespmem:s31], [sflag:$0x1] =	stream.indirect_vreg.gather [hbm4b:s8+s4], $0x80, v2, vm0, $0xb8;
	[tilespmem:$0x1A000] =	vst v63  }
0x12c: {  	s25 =	simm.s32 $0x4000  }
0x12d: {  	[tilespmem:s25], [sflag:$0x1] =	stream.indirect_vreg.gather [hbm4b:s9+s4], $0x80, v2, vm0, $0xb8;
	[tilespmem:$0x1A000] =	vst v63  }
0x12e: {  	s26 =	simm.s32 $0x4800  }
0x12f: {  	[tilespmem:s26], [sflag:$0x1] =	stream.indirect_vreg.gather [hbm4b:s10+s4], $0x80, v2, vm0, $0xb8;
	[tilespmem:$0x1A000] =	vst v63  }
0x130: {  	s31 =	simm.s32 $0x5000  }
0x131: {  	[tilespmem:s31], [sflag:$0x1] =	stream.indirect_vreg.gather [hbm4b:s11+s4], $0x80, v2, vm0, $0xb8;
	[tilespmem:$0x1A000] =	vst v63  }
0x132: {  	s25 =	simm.s32 $0x5800  }
0x133: {  	[tilespmem:s25], [sflag:$0x1] =	stream.indirect_vreg.gather [hbm4b:s12+s4], $0x80, v2, vm0, $0xb8;
	[tilespmem:$0x1A000] =	vst v63  }
0x134: {  	s26 =	simm.s32 $0x6000  }
0x135: {  	[tilespmem:s26], [sflag:$0x1] =	stream.indirect_vreg.gather [hbm4b:s13+s4], $0x80, v2, vm0, $0xb8;
	[tilespmem:$0x1A000] =	vst v63  }
0x136: {  	s31 =	simm.s32 $0x6800  }
0x137: {  	[tilespmem:s31], [sflag:$0x1] =	stream.indirect_vreg.gather [hbm4b:s14+s4], $0x80, v2, vm0, $0xb8;
	[tilespmem:$0x1A000] =	vst v63  }
0x138: {  	s25 =	simm.s32 $0x7000  }
0x139: {  	[tilespmem:s25], [sflag:$0x1] =	stream.indirect_vreg.gather [hbm4b:s15+s4], $0x80, v2, vm0, $0xb8;
	[tilespmem:$0x1A000] =	vst v63  }
0x13a: {  	s26 =	simm.s32 $0x7800  }
0x13b: {  	[tilespmem:s26], [sflag:$0x1] =	stream.indirect_vreg.gather [hbm4b:s16+s4], $0x80, v2, vm0, $0xb8;
	[tilespmem:$0x1A000] =	vst v63  }
0x13c: {  	s31 =	simm.s32 $0x8000  }
0x13d: {  	[tilespmem:s31], [sflag:$0x1] =	stream.indirect_vreg.gather [hbm4b:s17+s4], $0x80, v2, vm0, $0xb8;
	[tilespmem:$0x1A000] =	vst v63  }
0x13e: {  	s25 =	simm.s32 $0x8800  }
0x13f: {  	[tilespmem:s25], [sflag:$0x1] =	stream.indirect_vreg.gather [hbm4b:s18+s4], $0x80, v2, vm0, $0xb8;
	[tilespmem:$0x1A000] =	vst v63  }
0x140: {  	s26 =	simm.s32 $0x9000  }
0x141: {  	[tilespmem:s26], [sflag:$0x1] =	stream.indirect_vreg.gather [hbm4b:s19+s4], $0x80, v2, vm0, $0xb8;
	[tilespmem:$0x1A000] =	vst v63  }
0x142: {  	s31 =	simm.s32 $0x9800;
	s25 =	sadd.s32 $0xFFFFFF40, s21  }
0x143: {  	[tilespmem:s31], [sflag:$0x1] =	stream.indirect_vreg.gather [hbm4b:s20+s4], $0x80, v2, vm0, $0xb8;
	[tilespmem:$0x1A000] =	vst v63  }
0x144: {  	s23 =	sand.u32 $0x40, s25;
	s26 =	sadd.s32 $0x4000, s30;
	s31 =	simm.s32 $0x2  }
0x145: {  	s23 =	sadd.s32 s22, s23;
	s25 =	sand.u32 $0xFFFE000, s26;
	_ =	swait.ge [sflag:s31], $0x8000  }
0x146: {  	s26 =	simm.s32 $0xA000;
	s23 =	sadd.s32 s25, s23;
	[sflag:s31] =	ssyncset.done $0x0  }
0x147: {  	s25 =	smov.u32 s28;
	s28 =	simm.s32 $0x400;
	[sflag:s31] =	ssyncadd.s32 $0xFFFF8000  }
0x148: {  	[hbm4b:s23+s5] =	stream.strided.scatter [tilespmem:s26], [sflag:$0x5], $0x8000, s28, s5, $0x38;
	[tilespmem:$0x1A000] =	vst v63  }
0x149: {  	s23 =	simm.s32 $0x5  }
0x14a: {  	_ =	swait.ge [sflag:s23], $0x8000  }
0x14b: {  	[sflag:s23] =	ssyncset.done $0x0  }
0x14c: {  	[sflag:s23] =	ssyncadd.s32 $0xFFFF8000  }
0x14d: {  	v2 =	vld.msk [tilespmem:s29+$0x100], $0xf;
	_ =	sdelay $0x4  }
0x14e: {  	v3 =	vshll.u32 v2, $0x6  }
0x14f: {  	v2 =	vand.u32 $0x7, v2;
	v3 =	vand.u32 $0xFFFFFE00, v3  }
0x150: {  	v2 =	vor.u32 v2, v3  }
0x151: {  	v2 =	vperm.xlane v2, v0;
	_ =	sdelay $0x1  }
0x152: {  	v2 =	vadd.s32 v1, v2;
	_ =	sdelay $0x4  }
0x153: {  	[tilespmem:s26], [sflag:$0x2] =	stream.indirect_vreg.gather [hbm4b:s25+s4], $0x80, v2, vm0, $0xb8;
	[tilespmem:$0x1A000] =	vst v63  }
0x154: {  	s23 =	simm.s32 $0xA800  }
0x155: {  	[tilespmem:s23], [sflag:$0x2] =	stream.indirect_vreg.gather [hbm4b:s6+s4], $0x80, v2, vm0, $0xb8;
	[tilespmem:$0x1A000] =	vst v63  }
0x156: {  	s26 =	simm.s32 $0xB000  }
0x157: {  	[tilespmem:s26], [sflag:$0x2] =	stream.indirect_vreg.gather [hbm4b:s7+s4], $0x80, v2, vm0, $0xb8;
	[tilespmem:$0x1A000] =	vst v63  }
0x158: {  	s23 =	simm.s32 $0xB800  }
0x159: {  	[tilespmem:s23], [sflag:$0x2] =	stream.indirect_vreg.gather [hbm4b:s8+s4], $0x80, v2, vm0, $0xb8;
	[tilespmem:$0x1A000] =	vst v63  }
0x15a: {  	s26 =	simm.s32 $0xC000  }
0x15b: {  	[tilespmem:s26], [sflag:$0x2] =	stream.indirect_vreg.gather [hbm4b:s9+s4], $0x80, v2, vm0, $0xb8;
	[tilespmem:$0x1A000] =	vst v63  }
0x15c: {  	s23 =	simm.s32 $0xC800  }
0x15d: {  	[tilespmem:s23], [sflag:$0x2] =	stream.indirect_vreg.gather [hbm4b:s10+s4], $0x80, v2, vm0, $0xb8;
	[tilespmem:$0x1A000] =	vst v63  }
0x15e: {  	s26 =	simm.s32 $0xD000  }
0x15f: {  	[tilespmem:s26], [sflag:$0x2] =	stream.indirect_vreg.gather [hbm4b:s11+s4], $0x80, v2, vm0, $0xb8;
	[tilespmem:$0x1A000] =	vst v63  }
0x160: {  	s23 =	simm.s32 $0xD800  }
0x161: {  	[tilespmem:s23], [sflag:$0x2] =	stream.indirect_vreg.gather [hbm4b:s12+s4], $0x80, v2, vm0, $0xb8;
	[tilespmem:$0x1A000] =	vst v63  }
0x162: {  	s26 =	simm.s32 $0xE000  }
0x163: {  	[tilespmem:s26], [sflag:$0x2] =	stream.indirect_vreg.gather [hbm4b:s13+s4], $0x80, v2, vm0, $0xb8;
	[tilespmem:$0x1A000] =	vst v63  }
0x164: {  	s23 =	simm.s32 $0xE800  }
0x165: {  	[tilespmem:s23], [sflag:$0x2] =	stream.indirect_vreg.gather [hbm4b:s14+s4], $0x80, v2, vm0, $0xb8;
	[tilespmem:$0x1A000] =	vst v63  }
0x166: {  	s26 =	simm.s32 $0xF000  }
0x167: {  	[tilespmem:s26], [sflag:$0x2] =	stream.indirect_vreg.gather [hbm4b:s15+s4], $0x80, v2, vm0, $0xb8;
	[tilespmem:$0x1A000] =	vst v63  }
0x168: {  	s23 =	simm.s32 $0xF800  }
0x169: {  	[tilespmem:s23], [sflag:$0x2] =	stream.indirect_vreg.gather [hbm4b:s16+s4], $0x80, v2, vm0, $0xb8;
	[tilespmem:$0x1A000] =	vst v63  }
0x16a: {  	s26 =	simm.s32 $0x10000  }
0x16b: {  	[tilespmem:s26], [sflag:$0x2] =	stream.indirect_vreg.gather [hbm4b:s17+s4], $0x80, v2, vm0, $0xb8;
	[tilespmem:$0x1A000] =	vst v63  }
0x16c: {  	s23 =	simm.s32 $0x10800  }
0x16d: {  	[tilespmem:s23], [sflag:$0x2] =	stream.indirect_vreg.gather [hbm4b:s18+s4], $0x80, v2, vm0, $0xb8;
	[tilespmem:$0x1A000] =	vst v63  }
0x16e: {  	s26 =	simm.s32 $0x11000  }
0x16f: {  	[tilespmem:s26], [sflag:$0x2] =	stream.indirect_vreg.gather [hbm4b:s19+s4], $0x80, v2, vm0, $0xb8;
	[tilespmem:$0x1A000] =	vst v63  }
0x170: {  	s5 =	simm.s32 $0x3;
	s23 =	simm.s32 $0x11800  }
0x171: {  	[tilespmem:s23], [sflag:$0x2] =	stream.indirect_vreg.gather [hbm4b:s20+s4], $0x80, v2, vm0, $0xb8;
	[tilespmem:$0x1A000] =	vst v63  }
0x172: {  	s26 =	sadd.s32 $0x5000, s30;
	_ =	swait.ge [sflag:s5], $0x8000  }
0x173: {  	s23 =	sand.u32 $0xFFFE000, s26;
	s26 =	simm.s32 $0x12000;
	[sflag:s5] =	ssyncset.done $0x0  }
0x174: {  	s2 =	sadd.s32 s23, s2;
	[sflag:s5] =	ssyncadd.s32 $0xFFFF8000;
	s5 =	simm.s32 $0x200  }
0x175: {  	[hbm4b:s2+s5] =	stream.strided.scatter [tilespmem:s26], [sflag:$0x6], $0x8000, s28, s5, $0x38;
	[tilespmem:$0x1A000] =	vst v63  }
0x176: {  	_ =	swait.ge [sflag:s0], $0x8000  }
0x177: {  	[sflag:s0] =	ssyncset.done $0x0  }
0x178: {  	[sflag:s0] =	ssyncadd.s32 $0xFFFF8000  }
0x179: {  	v2 =	vld.msk [tilespmem:s29+$0x180], $0xf;
	_ =	sdelay $0x4  }
0x17a: {  	v3 =	vshll.u32 v2, $0x6  }
0x17b: {  	v2 =	vand.u32 $0x7, v2;
	v3 =	vand.u32 $0xFFFFFE00, v3  }
0x17c: {  	v2 =	vor.u32 v2, v3  }
0x17d: {  	v2 =	vperm.xlane v2, v0;
	_ =	sdelay $0x1  }
0x17e: {  	v2 =	vadd.s32 v1, v2;
	_ =	sdelay $0x3  }
0x17f: {  	s0 =	simm.s32 $0x12000  }
0x180: {  	[tilespmem:s0], [sflag:$0x3] =	stream.indirect_vreg.gather [hbm4b:s25+s4], $0x80, v2, vm0, $0xb8;
	[tilespmem:$0x1A000] =	vst v63  }
0x181: {  	s2 =	simm.s32 $0x12800  }
0x182: {  	[tilespmem:s2], [sflag:$0x3] =	stream.indirect_vreg.gather [hbm4b:s6+s4], $0x80, v2, vm0, $0xb8;
	[tilespmem:$0x1A000] =	vst v63  }
0x183: {  	s23 =	simm.s32 $0x13000  }
0x184: {  	[tilespmem:s23], [sflag:$0x3] =	stream.indirect_vreg.gather [hbm4b:s7+s4], $0x80, v2, vm0, $0xb8;
	[tilespmem:$0x1A000] =	vst v63  }
0x185: {  	s26 =	simm.s32 $0x13800  }
0x186: {  	[tilespmem:s26], [sflag:$0x3] =	stream.indirect_vreg.gather [hbm4b:s8+s4], $0x80, v2, vm0, $0xb8;
	[tilespmem:$0x1A000] =	vst v63  }
0x187: {  	s2 =	simm.s32 $0x14000  }
0x188: {  	[tilespmem:s2], [sflag:$0x3] =	stream.indirect_vreg.gather [hbm4b:s9+s4], $0x80, v2, vm0, $0xb8;
	[tilespmem:$0x1A000] =	vst v63  }
0x189: {  	s23 =	simm.s32 $0x14800  }
0x18a: {  	[tilespmem:s23], [sflag:$0x3] =	stream.indirect_vreg.gather [hbm4b:s10+s4], $0x80, v2, vm0, $0xb8;
	[tilespmem:$0x1A000] =	vst v63  }
0x18b: {  	s26 =	simm.s32 $0x15000  }
0x18c: {  	[tilespmem:s26], [sflag:$0x3] =	stream.indirect_vreg.gather [hbm4b:s11+s4], $0x80, v2, vm0, $0xb8;
	[tilespmem:$0x1A000] =	vst v63  }
0x18d: {  	s2 =	simm.s32 $0x15800  }
0x18e: {  	[tilespmem:s2], [sflag:$0x3] =	stream.indirect_vreg.gather [hbm4b:s12+s4], $0x80, v2, vm0, $0xb8;
	[tilespmem:$0x1A000] =	vst v63  }
0x18f: {  	s23 =	simm.s32 $0x16000  }
0x190: {  	[tilespmem:s23], [sflag:$0x3] =	stream.indirect_vreg.gather [hbm4b:s13+s4], $0x80, v2, vm0, $0xb8;
	[tilespmem:$0x1A000] =	vst v63  }
0x191: {  	s26 =	simm.s32 $0x16800  }
0x192: {  	[tilespmem:s26], [sflag:$0x3] =	stream.indirect_vreg.gather [hbm4b:s14+s4], $0x80, v2, vm0, $0xb8;
	[tilespmem:$0x1A000] =	vst v63  }
0x193: {  	s2 =	simm.s32 $0x17000  }
0x194: {  	[tilespmem:s2], [sflag:$0x3] =	stream.indirect_vreg.gather [hbm4b:s15+s4], $0x80, v2, vm0, $0xb8;
	[tilespmem:$0x1A000] =	vst v63  }
0x195: {  	s23 =	simm.s32 $0x17800  }
0x196: {  	[tilespmem:s23], [sflag:$0x3] =	stream.indirect_vreg.gather [hbm4b:s16+s4], $0x80, v2, vm0, $0xb8;
	[tilespmem:$0x1A000] =	vst v63  }
0x197: {  	s26 =	simm.s32 $0x18000  }
0x198: {  	[tilespmem:s26], [sflag:$0x3] =	stream.indirect_vreg.gather [hbm4b:s17+s4], $0x80, v2, vm0, $0xb8;
	[tilespmem:$0x1A000] =	vst v63  }
0x199: {  	s2 =	simm.s32 $0x18800  }
0x19a: {  	[tilespmem:s2], [sflag:$0x3] =	stream.indirect_vreg.gather [hbm4b:s18+s4], $0x80, v2, vm0, $0xb8;
	[tilespmem:$0x1A000] =	vst v63  }
0x19b: {  	s23 =	simm.s32 $0x19000  }
0x19c: {  	[tilespmem:s23], [sflag:$0x3] =	stream.indirect_vreg.gather [hbm4b:s19+s4], $0x80, v2, vm0, $0xb8;
	[tilespmem:$0x1A000] =	vst v63  }
0x19d: {  	s26 =	simm.s32 $0x19800;
	s2 =	simm.s32 $0x1  }
0x19e: {  	[tilespmem:s26], [sflag:$0x3] =	stream.indirect_vreg.gather [hbm4b:s20+s4], $0x80, v2, vm0, $0xb8;
	[tilespmem:$0x1A000] =	vst v63  }
0x19f: {  	s23 =	sadd.s32 $0x6000, s30;
	s26 =	simm.s32 $0x1;
	_ =	swait.ge [sflag:s2], $0x8000  }
0x1a0: {  	[sflag:s2] =	ssyncset.done $0x0;
	s2 =	sand.u32 $0xFFFE000, s23;
	s0 =	rddreg [dreg:$0xa]  }
0x1a1: {  	s23 =	simm.s32 $0x2000;
	[sflag:s26] =	ssyncadd.s32 $0xFFFF8000;
	s2 =	sadd.s32 s2, s0  }
0x1a2: {  	[hbm4b:s2+s5] =	stream.strided.scatter [tilespmem:s23], [sflag:$0x4], $0x8000, s28, s5, $0x38;
	[tilespmem:$0x1A000] =	vst v63  }
0x1a3: {  	_ =	swait.ge [sflag:s1], $0x8000  }
0x1a4: {  	[sflag:s1] =	ssyncset.done $0x0  }
0x1a5: {  	[sflag:s1] =	ssyncadd.s32 $0xFFFF8000  }
0x1a6: {  	v2 =	vld.msk [tilespmem:s29+$0x200], $0xf;
	_ =	sdelay $0x4  }
0x1a7: {  	v3 =	vshll.u32 v2, $0x6  }
0x1a8: {  	v2 =	vand.u32 $0x7, v2;
	v3 =	vand.u32 $0xFFFFFE00, v3  }
0x1a9: {  	v2 =	vor.u32 v2, v3  }
0x1aa: {  	v2 =	vperm.xlane v2, v0;
	_ =	sdelay $0x1  }
0x1ab: {  	v2 =	vadd.s32 v1, v2;
	_ =	sdelay $0x4  }
0x1ac: {  	[tilespmem:s23], [sflag:$0x1] =	stream.indirect_vreg.gather [hbm4b:s25+s4], $0x80, v2, vm0, $0xb8;
	[tilespmem:$0x1A000] =	vst v63  }
0x1ad: {  	s23 =	simm.s32 $0x2800  }
0x1ae: {  	[tilespmem:s23], [sflag:$0x1] =	stream.indirect_vreg.gather [hbm4b:s6+s4], $0x80, v2, vm0, $0xb8;
	[tilespmem:$0x1A000] =	vst v63  }
0x1af: {  	s2 =	simm.s32 $0x3000  }
0x1b0: {  	[tilespmem:s2], [sflag:$0x1] =	stream.indirect_vreg.gather [hbm4b:s7+s4], $0x80, v2, vm0, $0xb8;
	[tilespmem:$0x1A000] =	vst v63  }
0x1b1: {  	s23 =	simm.s32 $0x3800  }
0x1b2: {  	[tilespmem:s23], [sflag:$0x1] =	stream.indirect_vreg.gather [hbm4b:s8+s4], $0x80, v2, vm0, $0xb8;
	[tilespmem:$0x1A000] =	vst v63  }
0x1b3: {  	s2 =	simm.s32 $0x4000  }
0x1b4: {  	[tilespmem:s2], [sflag:$0x1] =	stream.indirect_vreg.gather [hbm4b:s9+s4], $0x80, v2, vm0, $0xb8;
	[tilespmem:$0x1A000] =	vst v63  }
0x1b5: {  	s23 =	simm.s32 $0x4800  }
0x1b6: {  	[tilespmem:s23], [sflag:$0x1] =	stream.indirect_vreg.gather [hbm4b:s10+s4], $0x80, v2, vm0, $0xb8;
	[tilespmem:$0x1A000] =	vst v63  }
0x1b7: {  	s2 =	simm.s32 $0x5000  }
0x1b8: {  	[tilespmem:s2], [sflag:$0x1] =	stream.indirect_vreg.gather [hbm4b:s11+s4], $0x80, v2, vm0, $0xb8;
	[tilespmem:$0x1A000] =	vst v63  }
0x1b9: {  	s23 =	simm.s32 $0x5800  }
0x1ba: {  	[tilespmem:s23], [sflag:$0x1] =	stream.indirect_vreg.gather [hbm4b:s12+s4], $0x80, v2, vm0, $0xb8;
	[tilespmem:$0x1A000] =	vst v63  }
0x1bb: {  	s2 =	simm.s32 $0x6000  }
0x1bc: {  	[tilespmem:s2], [sflag:$0x1] =	stream.indirect_vreg.gather [hbm4b:s13+s4], $0x80, v2, vm0, $0xb8;
	[tilespmem:$0x1A000] =	vst v63  }
0x1bd: {  	s28 =	simm.s32 $0x6800  }
0x1be: {  	[tilespmem:s28], [sflag:$0x1] =	stream.indirect_vreg.gather [hbm4b:s14+s4], $0x80, v2, vm0, $0xb8;
	[tilespmem:$0x1A000] =	vst v63  }
0x1bf: {  	s23 =	simm.s32 $0x7000  }
0x1c0: {  	[tilespmem:s23], [sflag:$0x1] =	stream.indirect_vreg.gather [hbm4b:s15+s4], $0x80, v2, vm0, $0xb8;
	[tilespmem:$0x1A000] =	vst v63  }
0x1c1: {  	s2 =	simm.s32 $0x7800  }
0x1c2: {  	[tilespmem:s2], [sflag:$0x1] =	stream.indirect_vreg.gather [hbm4b:s16+s4], $0x80, v2, vm0, $0xb8;
	[tilespmem:$0x1A000] =	vst v63  }
0x1c3: {  	s23 =	simm.s32 $0x8000  }
0x1c4: {  	[tilespmem:s23], [sflag:$0x1] =	stream.indirect_vreg.gather [hbm4b:s17+s4], $0x80, v2, vm0, $0xb8;
	[tilespmem:$0x1A000] =	vst v63  }
0x1c5: {  	s2 =	simm.s32 $0x8800  }
0x1c6: {  	[tilespmem:s2], [sflag:$0x1] =	stream.indirect_vreg.gather [hbm4b:s18+s4], $0x80, v2, vm0, $0xb8;
	[tilespmem:$0x1A000] =	vst v63  }
0x1c7: {  	s31 =	simm.s32 $0x2;
	s23 =	simm.s32 $0x9000  }
0x1c8: {  	[tilespmem:s23], [sflag:$0x1] =	stream.indirect_vreg.gather [hbm4b:s19+s4], $0x80, v2, vm0, $0xb8;
	[tilespmem:$0x1A000] =	vst v63  }
0x1c9: {  	s26 =	simm.s32 $0x200;
	s5 =	simm.s32 $0x400;
	s2 =	simm.s32 $0x9800  }
0x1ca: {  	[tilespmem:s2], [sflag:$0x1] =	stream.indirect_vreg.gather [hbm4b:s20+s4], $0x80, v2, vm0, $0xb8;
	[tilespmem:$0x1A000] =	vst v63  }
0x1cb: {  	s1 =	sand.u32 $0x40, s21;
	s23 =	sadd.s32 $0x7000, s30;
	_ =	swait.ge [sflag:s31], $0x8000  }
0x1cc: {  	s2 =	sand.u32 $0xFFFE000, s23;
	s23 =	sadd.s32 s22, s1;
	[sflag:s31] =	ssyncset.done $0x0  }
0x1cd: {  	s2 =	sadd.s32 s2, s23;
	[sflag:s31] =	ssyncadd.s32 $0xFFFF8000;
	s31 =	simm.s32 $0xA000  }
0x1ce: {  	[hbm4b:s2+s26] =	stream.strided.scatter [tilespmem:s31], [sflag:$0x5], $0x8000, s5, s26, $0x38;
	[tilespmem:$0x1A000] =	vst v63  }
0x1cf: {  	s2 =	simm.s32 $0x5  }
0x1d0: {  	s22 =	rddreg [dreg:$0x9];
	_ =	swait.ge [sflag:s2], $0x8000  }
0x1d1: {  	s22 =	sadd.s32 $0x3, s22;
	[sflag:s2] =	ssyncset.done $0x0  }
0x1d2: {  	p0 =	sgt.u32 s22, $0x11;
	[sflag:s2] =	ssyncadd.s32 $0xFFFF8000  }
0x1d3: {  	v2 =	vld.msk @!p0 [tilespmem:s29+$0x280], $0xf;
	_ =	sdelay $0x4  }
0x1d4: {  	v3 =	vshll.u32 @!p0 v2, $0x6  }
0x1d5: {  	v4 =	vlaneseq.u32 @!p0;
	v2 =	vand.u32 @!p0 $0x7, v2;
	v3 =	vand.u32 @!p0 $0xFFFFFE00, v3  }
0x1d6: {  	v2 =	vor.u32 @!p0 v2, v3;
	v3 =	vand.u32 @!p0 $0x3, v4;
	v4 =	vshrl.u32 @!p0 v4, $0x2  }
0x1d7: {  	v2 =	vperm.xlane @!p0 v2, v3;
	v3 =	vmul.u32 @!p0 $0x8, v4;
	_ =	sdelay $0x1  }
0x1d8: {  	v2 =	vadd.s32 @!p0 v3, v2;
	_ =	sdelay $0x3  }
0x1d9: {  	vm1 =	vmmov @!p0 $0xffff;
	s23 =	simm.s32 @!p0 $0xA000;
	s2 =	simm.s32 @!p0 $0x0  }
0x1da: {  	[tilespmem:s23], [sflag:$0x2] =	stream.indirect_vreg.gather @!p0 [hbm4b:s25+s2], $0x80, v2, vm1, $0xb8;
	[tilespmem:$0x1A000] =	vst v63  }
0x1db: {  	s23 =	simm.s32 @!p0 $0xA800  }
0x1dc: {  	[tilespmem:s23], [sflag:$0x2] =	stream.indirect_vreg.gather @!p0 [hbm4b:s6+s2], $0x80, v2, vm1, $0xb8;
	[tilespmem:$0x1A000] =	vst v63  }
0x1dd: {  	s23 =	simm.s32 @!p0 $0xB000  }
0x1de: {  	[tilespmem:s23], [sflag:$0x2] =	stream.indirect_vreg.gather @!p0 [hbm4b:s7+s2], $0x80, v2, vm1, $0xb8;
	[tilespmem:$0x1A000] =	vst v63  }
0x1df: {  	s23 =	simm.s32 @!p0 $0xB800  }
0x1e0: {  	[tilespmem:s23], [sflag:$0x2] =	stream.indirect_vreg.gather @!p0 [hbm4b:s8+s2], $0x80, v2, vm1, $0xb8;
	[tilespmem:$0x1A000] =	vst v63  }
0x1e1: {  	s23 =	simm.s32 @!p0 $0xC000  }
0x1e2: {  	[tilespmem:s23], [sflag:$0x2] =	stream.indirect_vreg.gather @!p0 [hbm4b:s9+s2], $0x80, v2, vm1, $0xb8;
	[tilespmem:$0x1A000] =	vst v63  }
0x1e3: {  	s23 =	simm.s32 @!p0 $0xC800  }
0x1e4: {  	[tilespmem:s23], [sflag:$0x2] =	stream.indirect_vreg.gather @!p0 [hbm4b:s10+s2], $0x80, v2, vm1, $0xb8;
	[tilespmem:$0x1A000] =	vst v63  }
0x1e5: {  	s23 =	simm.s32 @!p0 $0xD000  }
0x1e6: {  	[tilespmem:s23], [sflag:$0x2] =	stream.indirect_vreg.gather @!p0 [hbm4b:s11+s2], $0x80, v2, vm1, $0xb8;
	[tilespmem:$0x1A000] =	vst v63  }
0x1e7: {  	s23 =	simm.s32 @!p0 $0xD800  }
0x1e8: {  	[tilespmem:s23], [sflag:$0x2] =	stream.indirect_vreg.gather @!p0 [hbm4b:s12+s2], $0x80, v2, vm1, $0xb8;
	[tilespmem:$0x1A000] =	vst v63  }
0x1e9: {  	s23 =	simm.s32 @!p0 $0xE000  }
0x1ea: {  	[tilespmem:s23], [sflag:$0x2] =	stream.indirect_vreg.gather @!p0 [hbm4b:s13+s2], $0x80, v2, vm1, $0xb8;
	[tilespmem:$0x1A000] =	vst v63  }
0x1eb: {  	s23 =	simm.s32 @!p0 $0xE800  }
0x1ec: {  	[tilespmem:s23], [sflag:$0x2] =	stream.indirect_vreg.gather @!p0 [hbm4b:s14+s2], $0x80, v2, vm1, $0xb8;
	[tilespmem:$0x1A000] =	vst v63  }
0x1ed: {  	s23 =	simm.s32 @!p0 $0xF000  }
0x1ee: {  	[tilespmem:s23], [sflag:$0x2] =	stream.indirect_vreg.gather @!p0 [hbm4b:s15+s2], $0x80, v2, vm1, $0xb8;
	[tilespmem:$0x1A000] =	vst v63  }
0x1ef: {  	s23 =	simm.s32 @!p0 $0xF800  }
0x1f0: {  	[tilespmem:s23], [sflag:$0x2] =	stream.indirect_vreg.gather @!p0 [hbm4b:s16+s2], $0x80, v2, vm1, $0xb8;
	[tilespmem:$0x1A000] =	vst v63  }
0x1f1: {  	s23 =	simm.s32 @!p0 $0x10000  }
0x1f2: {  	[tilespmem:s23], [sflag:$0x2] =	stream.indirect_vreg.gather @!p0 [hbm4b:s17+s2], $0x80, v2, vm1, $0xb8;
	[tilespmem:$0x1A000] =	vst v63  }
0x1f3: {  	s23 =	simm.s32 @!p0 $0x10800  }
0x1f4: {  	[tilespmem:s23], [sflag:$0x2] =	stream.indirect_vreg.gather @!p0 [hbm4b:s18+s2], $0x80, v2, vm1, $0xb8;
	[tilespmem:$0x1A000] =	vst v63  }
0x1f5: {  	s24 =	sadd.s32 $0x9000, s24;
	s23 =	simm.s32 @!p0 $0x11000  }
0x1f6: {  	[tilespmem:s23], [sflag:$0x2] =	stream.indirect_vreg.gather @!p0 [hbm4b:s19+s2], $0x80, v2, vm1, $0xb8;
	[tilespmem:$0x1A000] =	vst v63  }
0x1f7: {  	s3 =	sadd.s32 $0xC0, s3;
	s21 =	sadd.s32 $0x240, s21;
	s23 =	simm.s32 @!p0 $0x11800  }
0x1f8: {  	[tilespmem:s23], [sflag:$0x2] =	stream.indirect_vreg.gather @!p0 [hbm4b:s20+s2], $0x80, v2, vm1, $0xb8;
	[tilespmem:$0x1A000] =	vst v63  }
0x1f9: {  	s30 =	sadd.s32 $0x8000, s30;
	s1 =	simm.s32 $0x200;
	p0 =	slt.u32 s22, $0x12  }
.Ltmp0:
0x1fa: {  	s5 =	simm.s32 $0x400;
	s23 =	simm.s32 $0x3;
	(pc) =	sbr.rel @p0 .LBB2_2-.Ltmp0, $4  }
0x1fb: {  	s31 =	simm.s32 $0x3;
	s2 =	sand.u32 $0xFFFE000, s30;
	_ =	swait.ge [sflag:s23], $0x8000  }
0x1fc: {  	s29 =	sadd.s32 $0x480, s29;
	s0 =	sadd.s32 s2, s0;
	[sflag:s23] =	ssyncset.done $0x0  }
0x1fd: {  	s2 =	simm.s32 $0x12000;
	s23 =	simm.s32 $0x400;
	[sflag:s31] =	ssyncadd.s32 $0xFFFF8000  }
0x1fe: {  	[hbm4b:s0+s26] =	stream.strided.scatter [tilespmem:s2], [sflag:$0x6], $0x8000, s5, s26, $0x38;
	[tilespmem:$0x1A000] =	vst v63  }
0x1ff: {  	s0 =	simm.s32 $0x1  }
0x200: {  	_ =	swait.ge [sflag:s0], $0x8000  }
0x201: {  	[sflag:s0] =	ssyncset.done $0x0  }
0x202: {  	s2 =	simm.s32 $0x2000;
	s22 =	rddreg [dreg:$0x6];
	[sflag:s0] =	ssyncadd.s32 $0xFFFF8000  }
0x203: {  	[hbm4b:s22+s1] =	stream.strided.scatter [tilespmem:s2], [sflag:$0x4], $0x8000, s23, s1, $0x38;
	[tilespmem:$0x1A000] =	vst v63  }
0x204: {  	s23 =	simm.s32 $0x6  }
0x205: {  	_ =	swait.ge [sflag:s23], $0x8000  }
0x206: {  	[sflag:s23] =	ssyncset.done $0x0  }
0x207: {  	s24 =	simm.s32 $0x4;
	[sflag:s23] =	ssyncadd.s32 $0xFFFF8000  }
0x208: {  	_ =	swait.ge [sflag:s24], $0x8000  }
0x209: {  	s26 =	rddreg [dreg:$0x8]  }
0x20a: {  	s31 =	rddreg [dreg:$0x7];
	s2 =	sadd.s32 $0x1, s26  }
0x20b: {  	p0 =	sne.s32 s2, s31  }
.Ltmp1:
0x20c: {  	_ = 	snop;
	(pc) =	sbr.rel @p0 .LBB2_1-.Ltmp1, $4  }
0x20d: {  	s3 =	simm.s32 $0x3000;
	s5 =	simm.s32 $0x3800  }
0x20e: {  	s21 =	simm.s32 $0x4000;
	s29 =	simm.s32 $0x5800;
	[sflag:s24] =	ssyncset.done $0x0  }
0x20f: {  	s30 =	simm.s32 $0x6000;
	s23 =	simm.s32 $0x4800;
	[sflag:s24] =	ssyncadd.s32 $0xFFFF8000  }
0x210: {  	s24 =	simm.s32 $0x5000;
	[dreg:$0x8] =	wrdreg s2;
	s2 =	simm.s32 $0x2800  }
0x211: {  	_ =	sfence.sel $0x180000  }
0x212: {  	[bflag:$0x0] =	sbarrier.arrive $0xFFFF  }
0x213: {  	_ =	strace $0x90000047  }
0x214: {  	s0 =	stileid.u32;
	[bflag:$0x2] =	sbarrier.arrive $0xFFFF  }
0x215: {  	p0 =	sne.s32 s0, $0x0;
	s0 =	rddreg [dreg:$0x3]  }
0x216: {  	s0 =	sadd.s32 @!p0 $0x100000, s0  }
0x217: {  	[sflag:s0] =	ssyncadd.tile.s32 @!p0 $0x1;
	_ =	shalt  }
.Lfunc_end2:
_tile_overlayer_lowered:
.L_overlay_start_2:
0x218: {  	(tag) =	ssettag $0x2  }
0x219: {  	s0 =	rddreg [dreg:$0x0];
	s2 =	stileid.u32  }
0x21a: {  	s1 =	rddreg [dreg:$0x1];
	p0 =	sne.s32 s2, $0x0  }
0x21b: {  	s3 =	rddreg [dreg:$0x2];
	[bflag:$0x3] =	sbarrier.arrive $0xFFFF;
	s2 =	simm.s32 @!p0 $0x1C07  }
0x21c: {  	[timem:s3], [sflag:s2] =	dma.local @!p0 [hbm:s0], s1  }
0x21d: {  	s0 =	simm.s32 @!p0 $0x7  }
0x21e: {  	_ =	swait.ge @!p0 [sflag:s0], s1  }
0x21f: {  	s1 =	ssub.s32 @!p0 $0x0, s1;
	[sflag:s0] =	ssyncset.done @!p0 $0x0  }
0x220: {  	[sflag:s0] =	ssyncadd.s32 @!p0 s1  }
0x221: {  	[bflag:$0x3] =	sbarrier.arrive $0xFFFF  }
0x222: {  	_ =	shalt  }

</sc_bundles>
